<compile_context>
chip_gen: v7x
topology: tpu7x:2x2x1
jax: 0.10.2.dev20260603
libtpu: 0.0.44.dev20260713+nightly
codegen_flags: <defaults>
</compile_context>

<pallas_src>
import functools

import jax
import jax.numpy as jnp
from jax import lax
from jax.experimental import pallas as pl
from jax.experimental.pallas import tpu as pltpu
from jax.experimental.pallas import tpu_sc as plsc

_LANES = 16
_NC = 2
_NS = 16
_CHUNK = 200


@functools.partial(jax.jit, static_argnums=(2, 3, 4))
def _select_rows(x, indices, R, C, K):
    n_workers = _NC * _NS
    rows_per_w = R // n_workers
    ch = _CHUNK
    n_chunks = rows_per_w // ch
    n2 = n_chunks // 2
    n_groups = K // _LANES

    mesh = plsc.VectorSubcoreMesh(
        core_axis_name="c", subcore_axis_name="s",
        num_cores=_NC, num_subcores=_NS)

    @functools.partial(
        pl.kernel,
        out_type=jax.ShapeDtypeStruct((R, K), jnp.float32),
        mesh=mesh,
        scratch_types=[
            pltpu.VMEM((K,), jnp.int32),
            pltpu.VMEM((2, ch, C), jnp.float32),
            pltpu.VMEM((2, ch, K), jnp.float32),
            pltpu.SemaphoreType.DMA,
            pltpu.SemaphoreType.DMA,
            pltpu.SemaphoreType.DMA,
            pltpu.SemaphoreType.DMA,
        ],
        compiler_params=pltpu.CompilerParams(needs_layout_passes=False),
    )
    def body(x_hbm, idx_hbm, out_hbm, idx_v, in_v, out_v,
             sin0, sin1, sout0, sout1):
        sin = (sin0, sin1)
        sout = (sout0, sout1)
        wid = lax.axis_index("s") * _NC + lax.axis_index("c")
        base = wid * rows_per_w
        pltpu.sync_copy(idx_hbm, idx_v)
        idx_vecs = [idx_v[pl.ds(g * _LANES, _LANES)] for g in range(n_groups)]

        def in_slice(i):
            return x_hbm.at[pl.ds(base + i * ch, ch)]

        def out_slice(i):
            return out_hbm.at[pl.ds(base + i * ch, ch)]

        def start_in(i, b):
            pltpu.async_copy(in_slice(i), in_v.at[b], sin[b])

        def wait_in(i, b):
            pltpu.make_async_copy(in_slice(i), in_v.at[b], sin[b]).wait()

        def start_out(i, b):
            pltpu.async_copy(out_v.at[b], out_slice(i), sout[b])

        def wait_out(i, b):
            pltpu.make_async_copy(out_v.at[b], out_slice(i), sout[b]).wait()

        def compute(b):
            @plsc.parallel_loop(0, ch, unroll=8)
            def _(r):
                rv = jnp.full((_LANES,), r, jnp.int32)
                for g in range(n_groups):
                    out_v[b, r, pl.ds(g * _LANES, _LANES)] = (
                        plsc.load_gather(in_v.at[b], [rv, idx_vecs[g]]))

        start_in(0, 0)
        start_in(1, 1)
        for b in (0, 1):
            wait_in(b, b)
            compute(b)
            start_out(b, b)
            start_in(b + 2, b)

        def loop_body(i2, carry):
            for b in (0, 1):
                i = 2 * i2 + b
                wait_in(i, b)
                wait_out(i - 2, b)
                compute(b)
                start_out(i, b)

                @pl.when(i2 < n2 - 1)
                def _():
                    start_in(i + 2, b)

            return carry

        lax.fori_loop(1, n2, loop_body, 0)

        wait_out(n_chunks - 2, 0)
        wait_out(n_chunks - 1, 1)

    return body(x, indices)


def kernel(x, indices):
    B, T, C = x.shape
    K = indices.shape[0]
    R = B * T
    out = _select_rows(x.reshape(R, C), indices.astype(jnp.int32), R, C, K)
    return out.reshape(B, T, K)

# --- scband reference (transcript-rebuilt; emitter-appended) ---
"""Pipeline reference for scband-select-5411658793350 (READ-ONLY COPY).

The authoritative reference and input builder live on the scoring server;
editing this copy changes nothing except your own understanding.
"""

import jax, jax.numpy as jnp
import numpy as np

_INDICES = [0, 2, 4, 6, 8, 10, 12, 14, 16, 18, 20, 22, 24, 26, 28, 30, 32, 34, 36, 38, 40, 42, 44, 46, 48, 50, 52, 54, 56, 58, 60, 62, 64, 66, 68, 70, 72, 74, 76, 78, 80, 82, 84, 86, 88, 90, 92, 94, 96, 98, 100, 102, 104, 106, 108, 110, 112, 114, 116, 118, 120, 122, 124, 126]


def setup_inputs(seed: int = 0) -> dict:
    key = jax.random.key(seed)
    x = jax.random.normal(key, (4096, 200, 128), dtype=jnp.float32)
    indices = jnp.asarray(_INDICES, dtype=jnp.int32)
    return {"x": x, "indices": indices}


def reference(x, indices):
    # Select.forward: x[..., self.indices] -> gather along last axis
    return jnp.take(x, indices, axis=-1)

if __name__ == "__main__":
    import jax
    _d = setup_inputs()
    print(jax.jit(kernel)(*tuple(_d.values())))

</pallas_src>

<mosaic_0001>
#map = affine_map<(d0, d1) -> (0, 0)>
#map1 = affine_map<(d0, d1) -> (0)>
module attributes {stable_mosaic.version = 14 : i64} {
  func.func @body(%arg0: i32, %arg1: i32, %arg2: memref<819200x128xf32, #tpu.memory_space<hbm>>, %arg3: memref<64xi32, #tpu.memory_space<hbm>>, %arg4: memref<819200x64xf32, #tpu.memory_space<hbm>>, %arg5: memref<64xi32, #tpu.memory_space<vmem>>, %arg6: memref<2x200x128xf32, #tpu.memory_space<vmem>>, %arg7: memref<2x200x64xf32, #tpu.memory_space<vmem>>, %arg8: memref<!tpu.dma_semaphore, #tpu.memory_space<semaphore_mem>>, %arg9: memref<!tpu.dma_semaphore, #tpu.memory_space<semaphore_mem>>, %arg10: memref<!tpu.dma_semaphore, #tpu.memory_space<semaphore_mem>>, %arg11: memref<!tpu.dma_semaphore, #tpu.memory_space<semaphore_mem>>) attributes {dimension_semantics = [#tpu.dimension_semantics<core_parallel>, #tpu.dimension_semantics<subcore_parallel>], iteration_bounds = array<i64: 2, 16>, scalar_prefetch = 0 : i64, scratch_operands = 7 : i64, tpu.core_type = #tpu.core_type<sc_vector_subcore>, window_params = [{transform_indices = #map}, {transform_indices = #map1}, {transform_indices = #map}]} {
    %mul3A = arith.constant 2 : i32
    %mul3A_0 = arith.muli %arg1, %mul3A : i32
    %add3A = arith.addi %mul3A_0, %arg0 : i32
    %mul3A_1 = arith.constant 25600 : i32
    %mul3A_2 = arith.muli %add3A, %mul3A_1 : i32
    "tpu.region"() ({
      %run_scoped3A = tpu.sem_alloc : memref<!tpu.dma_semaphore, #tpu.memory_space<semaphore_mem>>
      tpu.enqueue_dma source(%arg3 : memref<64xi32, #tpu.memory_space<hbm>>) target(%arg5 : memref<64xi32, #tpu.memory_space<vmem>>) target_semaphore(%run_scoped3A : memref<!tpu.dma_semaphore, #tpu.memory_space<semaphore_mem>>)
      tpu.wait_dma2 semaphore(%run_scoped3A : memref<!tpu.dma_semaphore, #tpu.memory_space<semaphore_mem>>) src(%arg3 : memref<64xi32, #tpu.memory_space<hbm>>) dst(%arg5 : memref<64xi32, #tpu.memory_space<vmem>>)
      tpu.yield
    }) : () -> ()
    %get3A = arith.constant 0 : index
    %get3A_3 = tpu.vector_load %arg5[%get3A] {strides = array<i32>} : memref<64xi32, #tpu.memory_space<vmem>>, vector<16xi32>,
    %get3A_4 = arith.constant 16 : index
    %get3A_5 = tpu.vector_load %arg5[%get3A_4] {strides = array<i32>} : memref<64xi32, #tpu.memory_space<vmem>>, vector<16xi32>,
    %get3A_6 = arith.constant 32 : index
    %get3A_7 = tpu.vector_load %arg5[%get3A_6] {strides = array<i32>} : memref<64xi32, #tpu.memory_space<vmem>>, vector<16xi32>,
    %get3A_8 = arith.constant 48 : index
    %get3A_9 = tpu.vector_load %arg5[%get3A_8] {strides = array<i32>} : memref<64xi32, #tpu.memory_space<vmem>>, vector<16xi32>,
    %add3A_10 = arith.constant 0 : i32
    %add3A_11 = arith.addi %mul3A_2, %add3A_10 : i32
    %dma_start3A = arith.constant 0 : i32
    %dma_start3A_12 = arith.constant 0 : i32
    %dma_start3A_13 = arith.constant 0 : i32
    %dma_start3A_14 = tpu.memref_slice %arg6[%dma_start3A, %dma_start3A_12, %dma_start3A_13] : memref<2x200x128xf32, #tpu.memory_space<vmem>> -> memref<1x200x128xf32, #tpu.memory_space<vmem>>
    %dma_start3A_15 = tpu.memref_squeeze %dma_start3A_14 : memref<1x200x128xf32, #tpu.memory_space<vmem>> -> memref<200x128xf32, #tpu.memory_space<vmem>>
    %dma_start3A_16 = arith.constant 0 : i32
    %dma_start3A_17 = tpu.memref_slice %arg2[%add3A_11, %dma_start3A_16] : memref<819200x128xf32, #tpu.memory_space<hbm>> -> memref<200x128xf32, #tpu.memory_space<hbm>>
    %dma_start3A_18 = arith.constant 0 : i32
    %dma_start3A_19 = arith.constant 0 : i32
    %dma_start3A_20 = tpu.memref_slice %arg6[%dma_start3A, %dma_start3A_18, %dma_start3A_19] : memref<2x200x128xf32, #tpu.memory_space<vmem>> -> memref<1x200x128xf32, #tpu.memory_space<vmem>>
    %dma_start3A_21 = tpu.memref_squeeze %dma_start3A_20 : memref<1x200x128xf32, #tpu.memory_space<vmem>> -> memref<200x128xf32, #tpu.memory_space<vmem>>
    %dma_start3A_22 = arith.constant 0 : i32
    %dma_start3A_23 = tpu.memref_slice %arg2[%add3A_11, %dma_start3A_22] : memref<819200x128xf32, #tpu.memory_space<hbm>> -> memref<200x128xf32, #tpu.memory_space<hbm>>
    tpu.enqueue_dma source(%dma_start3A_23 : memref<200x128xf32, #tpu.memory_space<hbm>>) target(%dma_start3A_21 : memref<200x128xf32, #tpu.memory_space<vmem>>) target_semaphore(%arg8 : memref<!tpu.dma_semaphore, #tpu.memory_space<semaphore_mem>>)
    %add3A_24 = arith.constant 200 : i32
    %add3A_25 = arith.addi %mul3A_2, %add3A_24 : i32
    %dma_start3A_26 = arith.constant 1 : i32
    %dma_start3A_27 = arith.constant 0 : i32
    %dma_start3A_28 = arith.constant 0 : i32
    %dma_start3A_29 = tpu.memref_slice %arg6[%dma_start3A_26, %dma_start3A_27, %dma_start3A_28] : memref<2x200x128xf32, #tpu.memory_space<vmem>> -> memref<1x200x128xf32, #tpu.memory_space<vmem>>
    %dma_start3A_30 = tpu.memref_squeeze %dma_start3A_29 : memref<1x200x128xf32, #tpu.memory_space<vmem>> -> memref<200x128xf32, #tpu.memory_space<vmem>>
    %dma_start3A_31 = arith.constant 0 : i32
    %dma_start3A_32 = tpu.memref_slice %arg2[%add3A_25, %dma_start3A_31] : memref<819200x128xf32, #tpu.memory_space<hbm>> -> memref<200x128xf32, #tpu.memory_space<hbm>>
    %dma_start3A_33 = arith.constant 0 : i32
    %dma_start3A_34 = arith.constant 0 : i32
    %dma_start3A_35 = tpu.memref_slice %arg6[%dma_start3A_26, %dma_start3A_33, %dma_start3A_34] : memref<2x200x128xf32, #tpu.memory_space<vmem>> -> memref<1x200x128xf32, #tpu.memory_space<vmem>>
    %dma_start3A_36 = tpu.memref_squeeze %dma_start3A_35 : memref<1x200x128xf32, #tpu.memory_space<vmem>> -> memref<200x128xf32, #tpu.memory_space<vmem>>
    %dma_start3A_37 = arith.constant 0 : i32
    %dma_start3A_38 = tpu.memref_slice %arg2[%add3A_25, %dma_start3A_37] : memref<819200x128xf32, #tpu.memory_space<hbm>> -> memref<200x128xf32, #tpu.memory_space<hbm>>
    tpu.enqueue_dma source(%dma_start3A_38 : memref<200x128xf32, #tpu.memory_space<hbm>>) target(%dma_start3A_36 : memref<200x128xf32, #tpu.memory_space<vmem>>) target_semaphore(%arg9 : memref<!tpu.dma_semaphore, #tpu.memory_space<semaphore_mem>>)
    %add3A_39 = arith.constant 0 : i32
    %add3A_40 = arith.addi %mul3A_2, %add3A_39 : i32
    %dma_wait3A = arith.constant 0 : i32
    %dma_wait3A_41 = arith.constant 0 : i32
    %dma_wait3A_42 = arith.constant 0 : i32
    %dma_wait3A_43 = tpu.memref_slice %arg6[%dma_wait3A, %dma_wait3A_41, %dma_wait3A_42] : memref<2x200x128xf32, #tpu.memory_space<vmem>> -> memref<1x200x128xf32, #tpu.memory_space<vmem>>
    %dma_wait3A_44 = tpu.memref_squeeze %dma_wait3A_43 : memref<1x200x128xf32, #tpu.memory_space<vmem>> -> memref<200x128xf32, #tpu.memory_space<vmem>>
    %dma_wait3A_45 = arith.constant 0 : i32
    %dma_wait3A_46 = tpu.memref_slice %arg2[%add3A_40, %dma_wait3A_45] : memref<819200x128xf32, #tpu.memory_space<hbm>> -> memref<200x128xf32, #tpu.memory_space<hbm>>
    %dma_wait3A_47 = arith.constant 0 : i32
    %dma_wait3A_48 = arith.constant 0 : i32
    %dma_wait3A_49 = tpu.memref_slice %arg6[%dma_wait3A, %dma_wait3A_47, %dma_wait3A_48] : memref<2x200x128xf32, #tpu.memory_space<vmem>> -> memref<1x200x128xf32, #tpu.memory_space<vmem>>
    %dma_wait3A_50 = tpu.memref_squeeze %dma_wait3A_49 : memref<1x200x128xf32, #tpu.memory_space<vmem>> -> memref<200x128xf32, #tpu.memory_space<vmem>>
    %dma_wait3A_51 = arith.constant 0 : i32
    %dma_wait3A_52 = tpu.memref_slice %arg2[%add3A_40, %dma_wait3A_51] : memref<819200x128xf32, #tpu.memory_space<hbm>> -> memref<200x128xf32, #tpu.memory_space<hbm>>
    tpu.wait_dma2 semaphore(%arg8 : memref<!tpu.dma_semaphore, #tpu.memory_space<semaphore_mem>>) src(%dma_wait3A_52 : memref<200x128xf32, #tpu.memory_space<hbm>>) dst(%dma_wait3A_50 : memref<200x128xf32, #tpu.memory_space<vmem>>)
    %parallel_loop3A = arith.constant 0 : i32
    %parallel_loop3A_53 = arith.constant 200 : i32
    %parallel_loop3A_54 = arith.constant 1 : i32
    scf.for %parallel_loop3A_168 = %parallel_loop3A to %parallel_loop3A_53 step %parallel_loop3A_54  : i32 {
      %parallel_loop3A_169 = vector.broadcast %parallel_loop3A_168 : i32 to vector<16xi32>
      %parallel_loop3A_170 = arith.constant 0 : i32
      %parallel_loop3A_171 = arith.constant 0 : i32
      %parallel_loop3A_172 = arith.constant 0 : i32
      %parallel_loop3A_173 = tpu.memref_slice %arg6[%parallel_loop3A_170, %parallel_loop3A_171, %parallel_loop3A_172] : memref<2x200x128xf32, #tpu.memory_space<vmem>> -> memref<1x200x128xf32, #tpu.memory_space<vmem>>
      %parallel_loop3A_174 = tpu.memref_squeeze %parallel_loop3A_173 : memref<1x200x128xf32, #tpu.memory_space<vmem>> -> memref<200x128xf32, #tpu.memory_space<vmem>>
      %parallel_loop3A_175 = tpu.vector_load_idx %parallel_loop3A_174[%parallel_loop3A_169, %get3A_3] : memref<200x128xf32, #tpu.memory_space<vmem>>[vector<16xi32>, vector<16xi32>], vector<16xf32>,
      %parallel_loop3A_176 = arith.constant 0 : i32
      %parallel_loop3A_177 = arith.index_cast %parallel_loop3A_176 : i32 to index
      %parallel_loop3A_178 = arith.index_cast %parallel_loop3A_168 : i32 to index
      %parallel_loop3A_179 = arith.constant 0 : index
      %parallel_loop3A_180 = tpu.vector_load %arg7[%parallel_loop3A_177, %parallel_loop3A_178, %parallel_loop3A_179] {strides = array<i32>} : memref<2x200x64xf32, #tpu.memory_space<vmem>>, vector<16xf32>,
      tpu.vector_store %arg7[%parallel_loop3A_177, %parallel_loop3A_178, %parallel_loop3A_179], %parallel_loop3A_175 {strides = array<i32>} : memref<2x200x64xf32, #tpu.memory_space<vmem>>, vector<16xf32>,
      %parallel_loop3A_181 = arith.constant 0 : i32
      %parallel_loop3A_182 = arith.constant 0 : i32
      %parallel_loop3A_183 = arith.constant 0 : i32
      %parallel_loop3A_184 = tpu.memref_slice %arg6[%parallel_loop3A_181, %parallel_loop3A_182, %parallel_loop3A_183] : memref<2x200x128xf32, #tpu.memory_space<vmem>> -> memref<1x200x128xf32, #tpu.memory_space<vmem>>
      %parallel_loop3A_185 = tpu.memref_squeeze %parallel_loop3A_184 : memref<1x200x128xf32, #tpu.memory_space<vmem>> -> memref<200x128xf32, #tpu.memory_space<vmem>>
      %parallel_loop3A_186 = tpu.vector_load_idx %parallel_loop3A_185[%parallel_loop3A_169, %get3A_5] : memref<200x128xf32, #tpu.memory_space<vmem>>[vector<16xi32>, vector<16xi32>], vector<16xf32>,
      %parallel_loop3A_187 = arith.constant 0 : i32
      %parallel_loop3A_188 = arith.index_cast %parallel_loop3A_187 : i32 to index
      %parallel_loop3A_189 = arith.index_cast %parallel_loop3A_168 : i32 to index
      %parallel_loop3A_190 = arith.constant 16 : index
      %parallel_loop3A_191 = tpu.vector_load %arg7[%parallel_loop3A_188, %parallel_loop3A_189, %parallel_loop3A_190] {strides = array<i32>} : memref<2x200x64xf32, #tpu.memory_space<vmem>>, vector<16xf32>,
      tpu.vector_store %arg7[%parallel_loop3A_188, %parallel_loop3A_189, %parallel_loop3A_190], %parallel_loop3A_186 {strides = array<i32>} : memref<2x200x64xf32, #tpu.memory_space<vmem>>, vector<16xf32>,
      %parallel_loop3A_192 = arith.constant 0 : i32
      %parallel_loop3A_193 = arith.constant 0 : i32
      %parallel_loop3A_194 = arith.constant 0 : i32
      %parallel_loop3A_195 = tpu.memref_slice %arg6[%parallel_loop3A_192, %parallel_loop3A_193, %parallel_loop3A_194] : memref<2x200x128xf32, #tpu.memory_space<vmem>> -> memref<1x200x128xf32, #tpu.memory_space<vmem>>
      %parallel_loop3A_196 = tpu.memref_squeeze %parallel_loop3A_195 : memref<1x200x128xf32, #tpu.memory_space<vmem>> -> memref<200x128xf32, #tpu.memory_space<vmem>>
      %parallel_loop3A_197 = tpu.vector_load_idx %parallel_loop3A_196[%parallel_loop3A_169, %get3A_7] : memref<200x128xf32, #tpu.memory_space<vmem>>[vector<16xi32>, vector<16xi32>], vector<16xf32>,
      %parallel_loop3A_198 = arith.constant 0 : i32
      %parallel_loop3A_199 = arith.index_cast %parallel_loop3A_198 : i32 to index
      %parallel_loop3A_200 = arith.index_cast %parallel_loop3A_168 : i32 to index
      %parallel_loop3A_201 = arith.constant 32 : index
      %parallel_loop3A_202 = tpu.vector_load %arg7[%parallel_loop3A_199, %parallel_loop3A_200, %parallel_loop3A_201] {strides = array<i32>} : memref<2x200x64xf32, #tpu.memory_space<vmem>>, vector<16xf32>,
      tpu.vector_store %arg7[%parallel_loop3A_199, %parallel_loop3A_200, %parallel_loop3A_201], %parallel_loop3A_197 {strides = array<i32>} : memref<2x200x64xf32, #tpu.memory_space<vmem>>, vector<16xf32>,
      %parallel_loop3A_203 = arith.constant 0 : i32
      %parallel_loop3A_204 = arith.constant 0 : i32
      %parallel_loop3A_205 = arith.constant 0 : i32
      %parallel_loop3A_206 = tpu.memref_slice %arg6[%parallel_loop3A_203, %parallel_loop3A_204, %parallel_loop3A_205] : memref<2x200x128xf32, #tpu.memory_space<vmem>> -> memref<1x200x128xf32, #tpu.memory_space<vmem>>
      %parallel_loop3A_207 = tpu.memref_squeeze %parallel_loop3A_206 : memref<1x200x128xf32, #tpu.memory_space<vmem>> -> memref<200x128xf32, #tpu.memory_space<vmem>>
      %parallel_loop3A_208 = tpu.vector_load_idx %parallel_loop3A_207[%parallel_loop3A_169, %get3A_9] : memref<200x128xf32, #tpu.memory_space<vmem>>[vector<16xi32>, vector<16xi32>], vector<16xf32>,
      %parallel_loop3A_209 = arith.constant 0 : i32
      %parallel_loop3A_210 = arith.index_cast %parallel_loop3A_209 : i32 to index
      %parallel_loop3A_211 = arith.index_cast %parallel_loop3A_168 : i32 to index
      %parallel_loop3A_212 = arith.constant 48 : index
      %parallel_loop3A_213 = tpu.vector_load %arg7[%parallel_loop3A_210, %parallel_loop3A_211, %parallel_loop3A_212] {strides = array<i32>} : memref<2x200x64xf32, #tpu.memory_space<vmem>>, vector<16xf32>,
      tpu.vector_store %arg7[%parallel_loop3A_210, %parallel_loop3A_211, %parallel_loop3A_212], %parallel_loop3A_208 {strides = array<i32>} : memref<2x200x64xf32, #tpu.memory_space<vmem>>, vector<16xf32>,
    } {sc.loop_unroll_factor = 8 : i64, sc.parallel_access}
    %add3A_55 = arith.constant 0 : i32
    %add3A_56 = arith.addi %mul3A_2, %add3A_55 : i32
    %dma_start3A_57 = arith.constant 0 : i32
    %dma_start3A_58 = arith.constant 0 : i32
    %dma_start3A_59 = arith.constant 0 : i32
    %dma_start3A_60 = tpu.memref_slice %arg7[%dma_start3A_57, %dma_start3A_58, %dma_start3A_59] : memref<2x200x64xf32, #tpu.memory_space<vmem>> -> memref<1x200x64xf32, #tpu.memory_space<vmem>>
    %dma_start3A_61 = tpu.memref_squeeze %dma_start3A_60 : memref<1x200x64xf32, #tpu.memory_space<vmem>> -> memref<200x64xf32, #tpu.memory_space<vmem>>
    %dma_start3A_62 = arith.constant 0 : i32
    %dma_start3A_63 = tpu.memref_slice %arg4[%add3A_56, %dma_start3A_62] : memref<819200x64xf32, #tpu.memory_space<hbm>> -> memref<200x64xf32, #tpu.memory_space<hbm>>
    %dma_start3A_64 = arith.constant 0 : i32
    %dma_start3A_65 = tpu.memref_slice %arg4[%add3A_56, %dma_start3A_64] : memref<819200x64xf32, #tpu.memory_space<hbm>> -> memref<200x64xf32, #tpu.memory_space<hbm>>
    %dma_start3A_66 = arith.constant 0 : i32
    %dma_start3A_67 = arith.constant 0 : i32
    %dma_start3A_68 = tpu.memref_slice %arg7[%dma_start3A_57, %dma_start3A_66, %dma_start3A_67] : memref<2x200x64xf32, #tpu.memory_space<vmem>> -> memref<1x200x64xf32, #tpu.memory_space<vmem>>
    %dma_start3A_69 = tpu.memref_squeeze %dma_start3A_68 : memref<1x200x64xf32, #tpu.memory_space<vmem>> -> memref<200x64xf32, #tpu.memory_space<vmem>>
    tpu.enqueue_dma source(%dma_start3A_69 : memref<200x64xf32, #tpu.memory_space<vmem>>) target(%dma_start3A_65 : memref<200x64xf32, #tpu.memory_space<hbm>>) target_semaphore(%arg10 : memref<!tpu.dma_semaphore, #tpu.memory_space<semaphore_mem>>)
    %add3A_70 = arith.constant 400 : i32
    %add3A_71 = arith.addi %mul3A_2, %add3A_70 : i32
    %dma_start3A_72 = arith.constant 0 : i32
    %dma_start3A_73 = arith.constant 0 : i32
    %dma_start3A_74 = arith.constant 0 : i32
    %dma_start3A_75 = tpu.memref_slice %arg6[%dma_start3A_72, %dma_start3A_73, %dma_start3A_74] : memref<2x200x128xf32, #tpu.memory_space<vmem>> -> memref<1x200x128xf32, #tpu.memory_space<vmem>>
    %dma_start3A_76 = tpu.memref_squeeze %dma_start3A_75 : memref<1x200x128xf32, #tpu.memory_space<vmem>> -> memref<200x128xf32, #tpu.memory_space<vmem>>
    %dma_start3A_77 = arith.constant 0 : i32
    %dma_start3A_78 = tpu.memref_slice %arg2[%add3A_71, %dma_start3A_77] : memref<819200x128xf32, #tpu.memory_space<hbm>> -> memref<200x128xf32, #tpu.memory_space<hbm>>
    %dma_start3A_79 = arith.constant 0 : i32
    %dma_start3A_80 = arith.constant 0 : i32
    %dma_start3A_81 = tpu.memref_slice %arg6[%dma_start3A_72, %dma_start3A_79, %dma_start3A_80] : memref<2x200x128xf32, #tpu.memory_space<vmem>> -> memref<1x200x128xf32, #tpu.memory_space<vmem>>
    %dma_start3A_82 = tpu.memref_squeeze %dma_start3A_81 : memref<1x200x128xf32, #tpu.memory_space<vmem>> -> memref<200x128xf32, #tpu.memory_space<vmem>>
    %dma_start3A_83 = arith.constant 0 : i32
    %dma_start3A_84 = tpu.memref_slice %arg2[%add3A_71, %dma_start3A_83] : memref<819200x128xf32, #tpu.memory_space<hbm>> -> memref<200x128xf32, #tpu.memory_space<hbm>>
    tpu.enqueue_dma source(%dma_start3A_84 : memref<200x128xf32, #tpu.memory_space<hbm>>) target(%dma_start3A_82 : memref<200x128xf32, #tpu.memory_space<vmem>>) target_semaphore(%arg8 : memref<!tpu.dma_semaphore, #tpu.memory_space<semaphore_mem>>)
    %add3A_85 = arith.constant 200 : i32
    %add3A_86 = arith.addi %mul3A_2, %add3A_85 : i32
    %dma_wait3A_87 = arith.constant 1 : i32
    %dma_wait3A_88 = arith.constant 0 : i32
    %dma_wait3A_89 = arith.constant 0 : i32
    %dma_wait3A_90 = tpu.memref_slice %arg6[%dma_wait3A_87, %dma_wait3A_88, %dma_wait3A_89] : memref<2x200x128xf32, #tpu.memory_space<vmem>> -> memref<1x200x128xf32, #tpu.memory_space<vmem>>
    %dma_wait3A_91 = tpu.memref_squeeze %dma_wait3A_90 : memref<1x200x128xf32, #tpu.memory_space<vmem>> -> memref<200x128xf32, #tpu.memory_space<vmem>>
    %dma_wait3A_92 = arith.constant 0 : i32
    %dma_wait3A_93 = tpu.memref_slice %arg2[%add3A_86, %dma_wait3A_92] : memref<819200x128xf32, #tpu.memory_space<hbm>> -> memref<200x128xf32, #tpu.memory_space<hbm>>
    %dma_wait3A_94 = arith.constant 0 : i32
    %dma_wait3A_95 = arith.constant 0 : i32
    %dma_wait3A_96 = tpu.memref_slice %arg6[%dma_wait3A_87, %dma_wait3A_94, %dma_wait3A_95] : memref<2x200x128xf32, #tpu.memory_space<vmem>> -> memref<1x200x128xf32, #tpu.memory_space<vmem>>
    %dma_wait3A_97 = tpu.memref_squeeze %dma_wait3A_96 : memref<1x200x128xf32, #tpu.memory_space<vmem>> -> memref<200x128xf32, #tpu.memory_space<vmem>>
    %dma_wait3A_98 = arith.constant 0 : i32
    %dma_wait3A_99 = tpu.memref_slice %arg2[%add3A_86, %dma_wait3A_98] : memref<819200x128xf32, #tpu.memory_space<hbm>> -> memref<200x128xf32, #tpu.memory_space<hbm>>
    tpu.wait_dma2 semaphore(%arg9 : memref<!tpu.dma_semaphore, #tpu.memory_space<semaphore_mem>>) src(%dma_wait3A_99 : memref<200x128xf32, #tpu.memory_space<hbm>>) dst(%dma_wait3A_97 : memref<200x128xf32, #tpu.memory_space<vmem>>)
    %parallel_loop3A_100 = arith.constant 0 : i32
    %parallel_loop3A_101 = arith.constant 200 : i32
    %parallel_loop3A_102 = arith.constant 1 : i32
    scf.for %parallel_loop3A_168 = %parallel_loop3A_100 to %parallel_loop3A_101 step %parallel_loop3A_102  : i32 {
      %parallel_loop3A_169 = vector.broadcast %parallel_loop3A_168 : i32 to vector<16xi32>
      %parallel_loop3A_170 = arith.constant 1 : i32
      %parallel_loop3A_171 = arith.constant 0 : i32
      %parallel_loop3A_172 = arith.constant 0 : i32
      %parallel_loop3A_173 = tpu.memref_slice %arg6[%parallel_loop3A_170, %parallel_loop3A_171, %parallel_loop3A_172] : memref<2x200x128xf32, #tpu.memory_space<vmem>> -> memref<1x200x128xf32, #tpu.memory_space<vmem>>
      %parallel_loop3A_174 = tpu.memref_squeeze %parallel_loop3A_173 : memref<1x200x128xf32, #tpu.memory_space<vmem>> -> memref<200x128xf32, #tpu.memory_space<vmem>>
      %parallel_loop3A_175 = tpu.vector_load_idx %parallel_loop3A_174[%parallel_loop3A_169, %get3A_3] : memref<200x128xf32, #tpu.memory_space<vmem>>[vector<16xi32>, vector<16xi32>], vector<16xf32>,
      %parallel_loop3A_176 = arith.constant 1 : i32
      %parallel_loop3A_177 = arith.index_cast %parallel_loop3A_176 : i32 to index
      %parallel_loop3A_178 = arith.index_cast %parallel_loop3A_168 : i32 to index
      %parallel_loop3A_179 = arith.constant 0 : index
      %parallel_loop3A_180 = tpu.vector_load %arg7[%parallel_loop3A_177, %parallel_loop3A_178, %parallel_loop3A_179] {strides = array<i32>} : memref<2x200x64xf32, #tpu.memory_space<vmem>>, vector<16xf32>,
      tpu.vector_store %arg7[%parallel_loop3A_177, %parallel_loop3A_178, %parallel_loop3A_179], %parallel_loop3A_175 {strides = array<i32>} : memref<2x200x64xf32, #tpu.memory_space<vmem>>, vector<16xf32>,
      %parallel_loop3A_181 = arith.constant 1 : i32
      %parallel_loop3A_182 = arith.constant 0 : i32
      %parallel_loop3A_183 = arith.constant 0 : i32
      %parallel_loop3A_184 = tpu.memref_slice %arg6[%parallel_loop3A_181, %parallel_loop3A_182, %parallel_loop3A_183] : memref<2x200x128xf32, #tpu.memory_space<vmem>> -> memref<1x200x128xf32, #tpu.memory_space<vmem>>
      %parallel_loop3A_185 = tpu.memref_squeeze %parallel_loop3A_184 : memref<1x200x128xf32, #tpu.memory_space<vmem>> -> memref<200x128xf32, #tpu.memory_space<vmem>>
      %parallel_loop3A_186 = tpu.vector_load_idx %parallel_loop3A_185[%parallel_loop3A_169, %get3A_5] : memref<200x128xf32, #tpu.memory_space<vmem>>[vector<16xi32>, vector<16xi32>], vector<16xf32>,
      %parallel_loop3A_187 = arith.constant 1 : i32
      %parallel_loop3A_188 = arith.index_cast %parallel_loop3A_187 : i32 to index
      %parallel_loop3A_189 = arith.index_cast %parallel_loop3A_168 : i32 to index
      %parallel_loop3A_190 = arith.constant 16 : index
      %parallel_loop3A_191 = tpu.vector_load %arg7[%parallel_loop3A_188, %parallel_loop3A_189, %parallel_loop3A_190] {strides = array<i32>} : memref<2x200x64xf32, #tpu.memory_space<vmem>>, vector<16xf32>,
      tpu.vector_store %arg7[%parallel_loop3A_188, %parallel_loop3A_189, %parallel_loop3A_190], %parallel_loop3A_186 {strides = array<i32>} : memref<2x200x64xf32, #tpu.memory_space<vmem>>, vector<16xf32>,
      %parallel_loop3A_192 = arith.constant 1 : i32
      %parallel_loop3A_193 = arith.constant 0 : i32
      %parallel_loop3A_194 = arith.constant 0 : i32
      %parallel_loop3A_195 = tpu.memref_slice %arg6[%parallel_loop3A_192, %parallel_loop3A_193, %parallel_loop3A_194] : memref<2x200x128xf32, #tpu.memory_space<vmem>> -> memref<1x200x128xf32, #tpu.memory_space<vmem>>
      %parallel_loop3A_196 = tpu.memref_squeeze %parallel_loop3A_195 : memref<1x200x128xf32, #tpu.memory_space<vmem>> -> memref<200x128xf32, #tpu.memory_space<vmem>>
      %parallel_loop3A_197 = tpu.vector_load_idx %parallel_loop3A_196[%parallel_loop3A_169, %get3A_7] : memref<200x128xf32, #tpu.memory_space<vmem>>[vector<16xi32>, vector<16xi32>], vector<16xf32>,
      %parallel_loop3A_198 = arith.constant 1 : i32
      %parallel_loop3A_199 = arith.index_cast %parallel_loop3A_198 : i32 to index
      %parallel_loop3A_200 = arith.index_cast %parallel_loop3A_168 : i32 to index
      %parallel_loop3A_201 = arith.constant 32 : index
      %parallel_loop3A_202 = tpu.vector_load %arg7[%parallel_loop3A_199, %parallel_loop3A_200, %parallel_loop3A_201] {strides = array<i32>} : memref<2x200x64xf32, #tpu.memory_space<vmem>>, vector<16xf32>,
      tpu.vector_store %arg7[%parallel_loop3A_199, %parallel_loop3A_200, %parallel_loop3A_201], %parallel_loop3A_197 {strides = array<i32>} : memref<2x200x64xf32, #tpu.memory_space<vmem>>, vector<16xf32>,
      %parallel_loop3A_203 = arith.constant 1 : i32
      %parallel_loop3A_204 = arith.constant 0 : i32
      %parallel_loop3A_205 = arith.constant 0 : i32
      %parallel_loop3A_206 = tpu.memref_slice %arg6[%parallel_loop3A_203, %parallel_loop3A_204, %parallel_loop3A_205] : memref<2x200x128xf32, #tpu.memory_space<vmem>> -> memref<1x200x128xf32, #tpu.memory_space<vmem>>
      %parallel_loop3A_207 = tpu.memref_squeeze %parallel_loop3A_206 : memref<1x200x128xf32, #tpu.memory_space<vmem>> -> memref<200x128xf32, #tpu.memory_space<vmem>>
      %parallel_loop3A_208 = tpu.vector_load_idx %parallel_loop3A_207[%parallel_loop3A_169, %get3A_9] : memref<200x128xf32, #tpu.memory_space<vmem>>[vector<16xi32>, vector<16xi32>], vector<16xf32>,
      %parallel_loop3A_209 = arith.constant 1 : i32
      %parallel_loop3A_210 = arith.index_cast %parallel_loop3A_209 : i32 to index
      %parallel_loop3A_211 = arith.index_cast %parallel_loop3A_168 : i32 to index
      %parallel_loop3A_212 = arith.constant 48 : index
      %parallel_loop3A_213 = tpu.vector_load %arg7[%parallel_loop3A_210, %parallel_loop3A_211, %parallel_loop3A_212] {strides = array<i32>} : memref<2x200x64xf32, #tpu.memory_space<vmem>>, vector<16xf32>,
      tpu.vector_store %arg7[%parallel_loop3A_210, %parallel_loop3A_211, %parallel_loop3A_212], %parallel_loop3A_208 {strides = array<i32>} : memref<2x200x64xf32, #tpu.memory_space<vmem>>, vector<16xf32>,
    } {sc.loop_unroll_factor = 8 : i64, sc.parallel_access}
    %add3A_103 = arith.constant 200 : i32
    %add3A_104 = arith.addi %mul3A_2, %add3A_103 : i32
    %dma_start3A_105 = arith.constant 1 : i32
    %dma_start3A_106 = arith.constant 0 : i32
    %dma_start3A_107 = arith.constant 0 : i32
    %dma_start3A_108 = tpu.memref_slice %arg7[%dma_start3A_105, %dma_start3A_106, %dma_start3A_107] : memref<2x200x64xf32, #tpu.memory_space<vmem>> -> memref<1x200x64xf32, #tpu.memory_space<vmem>>
    %dma_start3A_109 = tpu.memref_squeeze %dma_start3A_108 : memref<1x200x64xf32, #tpu.memory_space<vmem>> -> memref<200x64xf32, #tpu.memory_space<vmem>>
    %dma_start3A_110 = arith.constant 0 : i32
    %dma_start3A_111 = tpu.memref_slice %arg4[%add3A_104, %dma_start3A_110] : memref<819200x64xf32, #tpu.memory_space<hbm>> -> memref<200x64xf32, #tpu.memory_space<hbm>>
    %dma_start3A_112 = arith.constant 0 : i32
    %dma_start3A_113 = tpu.memref_slice %arg4[%add3A_104, %dma_start3A_112] : memref<819200x64xf32, #tpu.memory_space<hbm>> -> memref<200x64xf32, #tpu.memory_space<hbm>>
    %dma_start3A_114 = arith.constant 0 : i32
    %dma_start3A_115 = arith.constant 0 : i32
    %dma_start3A_116 = tpu.memref_slice %arg7[%dma_start3A_105, %dma_start3A_114, %dma_start3A_115] : memref<2x200x64xf32, #tpu.memory_space<vmem>> -> memref<1x200x64xf32, #tpu.memory_space<vmem>>
    %dma_start3A_117 = tpu.memref_squeeze %dma_start3A_116 : memref<1x200x64xf32, #tpu.memory_space<vmem>> -> memref<200x64xf32, #tpu.memory_space<vmem>>
    tpu.enqueue_dma source(%dma_start3A_117 : memref<200x64xf32, #tpu.memory_space<vmem>>) target(%dma_start3A_113 : memref<200x64xf32, #tpu.memory_space<hbm>>) target_semaphore(%arg11 : memref<!tpu.dma_semaphore, #tpu.memory_space<semaphore_mem>>)
    %add3A_118 = arith.constant 600 : i32
    %add3A_119 = arith.addi %mul3A_2, %add3A_118 : i32
    %dma_start3A_120 = arith.constant 1 : i32
    %dma_start3A_121 = arith.constant 0 : i32
    %dma_start3A_122 = arith.constant 0 : i32
    %dma_start3A_123 = tpu.memref_slice %arg6[%dma_start3A_120, %dma_start3A_121, %dma_start3A_122] : memref<2x200x128xf32, #tpu.memory_space<vmem>> -> memref<1x200x128xf32, #tpu.memory_space<vmem>>
    %dma_start3A_124 = tpu.memref_squeeze %dma_start3A_123 : memref<1x200x128xf32, #tpu.memory_space<vmem>> -> memref<200x128xf32, #tpu.memory_space<vmem>>
    %dma_start3A_125 = arith.constant 0 : i32
    %dma_start3A_126 = tpu.memref_slice %arg2[%add3A_119, %dma_start3A_125] : memref<819200x128xf32, #tpu.memory_space<hbm>> -> memref<200x128xf32, #tpu.memory_space<hbm>>
    %dma_start3A_127 = arith.constant 0 : i32
    %dma_start3A_128 = arith.constant 0 : i32
    %dma_start3A_129 = tpu.memref_slice %arg6[%dma_start3A_120, %dma_start3A_127, %dma_start3A_128] : memref<2x200x128xf32, #tpu.memory_space<vmem>> -> memref<1x200x128xf32, #tpu.memory_space<vmem>>
    %dma_start3A_130 = tpu.memref_squeeze %dma_start3A_129 : memref<1x200x128xf32, #tpu.memory_space<vmem>> -> memref<200x128xf32, #tpu.memory_space<vmem>>
    %dma_start3A_131 = arith.constant 0 : i32
    %dma_start3A_132 = tpu.memref_slice %arg2[%add3A_119, %dma_start3A_131] : memref<819200x128xf32, #tpu.memory_space<hbm>> -> memref<200x128xf32, #tpu.memory_space<hbm>>
    tpu.enqueue_dma source(%dma_start3A_132 : memref<200x128xf32, #tpu.memory_space<hbm>>) target(%dma_start3A_130 : memref<200x128xf32, #tpu.memory_space<vmem>>) target_semaphore(%arg9 : memref<!tpu.dma_semaphore, #tpu.memory_space<semaphore_mem>>)
    %scan3A = arith.constant 0 : i32
    %scan3A_133 = arith.constant 1 : i32
    %scan3A_134 = arith.constant 63 : i32
    %scan3A_135 = arith.addi %scan3A_133, %scan3A_134 : i32
    %scan3A_136 = arith.constant 1 : i32
    scf.for %scan3A_168 = %scan3A_133 to %scan3A_135 step %scan3A_136  : i32 {
      %mul3A_169 = arith.constant 2 : i32
      %mul3A_170 = arith.muli %mul3A_169, %scan3A_168 : i32
      %add3A_171 = arith.constant 0 : i32
      %add3A_172 = arith.addi %mul3A_170, %add3A_171 : i32
      %mul3A_173 = arith.constant 200 : i32
      %mul3A_174 = arith.muli %add3A_172, %mul3A_173 : i32
      %add3A_175 = arith.addi %mul3A_2, %mul3A_174 : i32
      %dma_wait3A_176 = arith.constant 0 : i32
      %dma_wait3A_177 = arith.constant 0 : i32
      %dma_wait3A_178 = arith.constant 0 : i32
      %dma_wait3A_179 = tpu.memref_slice %arg6[%dma_wait3A_176, %dma_wait3A_177, %dma_wait3A_178] : memref<2x200x128xf32, #tpu.memory_space<vmem>> -> memref<1x200x128xf32, #tpu.memory_space<vmem>>
      %dma_wait3A_180 = tpu.memref_squeeze %dma_wait3A_179 : memref<1x200x128xf32, #tpu.memory_space<vmem>> -> memref<200x128xf32, #tpu.memory_space<vmem>>
      %dma_wait3A_181 = arith.constant 0 : i32
      %dma_wait3A_182 = tpu.memref_slice %arg2[%add3A_175, %dma_wait3A_181] : memref<819200x128xf32, #tpu.memory_space<hbm>> -> memref<200x128xf32, #tpu.memory_space<hbm>>
      %dma_wait3A_183 = arith.constant 0 : i32
      %dma_wait3A_184 = arith.constant 0 : i32
      %dma_wait3A_185 = tpu.memref_slice %arg6[%dma_wait3A_176, %dma_wait3A_183, %dma_wait3A_184] : memref<2x200x128xf32, #tpu.memory_space<vmem>> -> memref<1x200x128xf32, #tpu.memory_space<vmem>>
      %dma_wait3A_186 = tpu.memref_squeeze %dma_wait3A_185 : memref<1x200x128xf32, #tpu.memory_space<vmem>> -> memref<200x128xf32, #tpu.memory_space<vmem>>
      %dma_wait3A_187 = arith.constant 0 : i32
      %dma_wait3A_188 = tpu.memref_slice %arg2[%add3A_175, %dma_wait3A_187] : memref<819200x128xf32, #tpu.memory_space<hbm>> -> memref<200x128xf32, #tpu.memory_space<hbm>>
      tpu.wait_dma2 semaphore(%arg8 : memref<!tpu.dma_semaphore, #tpu.memory_space<semaphore_mem>>) src(%dma_wait3A_188 : memref<200x128xf32, #tpu.memory_space<hbm>>) dst(%dma_wait3A_186 : memref<200x128xf32, #tpu.memory_space<vmem>>)
      %sub3A = arith.constant 2 : i32
      %sub3A_189 = arith.subi %add3A_172, %sub3A : i32
      %mul3A_190 = arith.constant 200 : i32
      %mul3A_191 = arith.muli %sub3A_189, %mul3A_190 : i32
      %add3A_192 = arith.addi %mul3A_2, %mul3A_191 : i32
      %dma_wait3A_193 = arith.constant 0 : i32
      %dma_wait3A_194 = arith.constant 0 : i32
      %dma_wait3A_195 = arith.constant 0 : i32
      %dma_wait3A_196 = tpu.memref_slice %arg7[%dma_wait3A_193, %dma_wait3A_194, %dma_wait3A_195] : memref<2x200x64xf32, #tpu.memory_space<vmem>> -> memref<1x200x64xf32, #tpu.memory_space<vmem>>
      %dma_wait3A_197 = tpu.memref_squeeze %dma_wait3A_196 : memref<1x200x64xf32, #tpu.memory_space<vmem>> -> memref<200x64xf32, #tpu.memory_space<vmem>>
      %dma_wait3A_198 = arith.constant 0 : i32
      %dma_wait3A_199 = tpu.memref_slice %arg4[%add3A_192, %dma_wait3A_198] : memref<819200x64xf32, #tpu.memory_space<hbm>> -> memref<200x64xf32, #tpu.memory_space<hbm>>
      %dma_wait3A_200 = arith.constant 0 : i32
      %dma_wait3A_201 = tpu.memref_slice %arg4[%add3A_192, %dma_wait3A_200] : memref<819200x64xf32, #tpu.memory_space<hbm>> -> memref<200x64xf32, #tpu.memory_space<hbm>>
      %dma_wait3A_202 = arith.constant 0 : i32
      %dma_wait3A_203 = arith.constant 0 : i32
      %dma_wait3A_204 = tpu.memref_slice %arg7[%dma_wait3A_193, %dma_wait3A_202, %dma_wait3A_203] : memref<2x200x64xf32, #tpu.memory_space<vmem>> -> memref<1x200x64xf32, #tpu.memory_space<vmem>>
      %dma_wait3A_205 = tpu.memref_squeeze %dma_wait3A_204 : memref<1x200x64xf32, #tpu.memory_space<vmem>> -> memref<200x64xf32, #tpu.memory_space<vmem>>
      tpu.wait_dma2 semaphore(%arg10 : memref<!tpu.dma_semaphore, #tpu.memory_space<semaphore_mem>>) src(%dma_wait3A_205 : memref<200x64xf32, #tpu.memory_space<vmem>>) dst(%dma_wait3A_201 : memref<200x64xf32, #tpu.memory_space<hbm>>)
      %parallel_loop3A_206 = arith.constant 0 : i32
      %parallel_loop3A_207 = arith.constant 200 : i32
      %parallel_loop3A_208 = arith.constant 1 : i32
      scf.for %parallel_loop3A_289 = %parallel_loop3A_206 to %parallel_loop3A_207 step %parallel_loop3A_208  : i32 {
        %parallel_loop3A_290 = vector.broadcast %parallel_loop3A_289 : i32 to vector<16xi32>
        %parallel_loop3A_291 = arith.constant 0 : i32
        %parallel_loop3A_292 = arith.constant 0 : i32
        %parallel_loop3A_293 = arith.constant 0 : i32
        %parallel_loop3A_294 = tpu.memref_slice %arg6[%parallel_loop3A_291, %parallel_loop3A_292, %parallel_loop3A_293] : memref<2x200x128xf32, #tpu.memory_space<vmem>> -> memref<1x200x128xf32, #tpu.memory_space<vmem>>
        %parallel_loop3A_295 = tpu.memref_squeeze %parallel_loop3A_294 : memref<1x200x128xf32, #tpu.memory_space<vmem>> -> memref<200x128xf32, #tpu.memory_space<vmem>>
        %parallel_loop3A_296 = tpu.vector_load_idx %parallel_loop3A_295[%parallel_loop3A_290, %get3A_3] : memref<200x128xf32, #tpu.memory_space<vmem>>[vector<16xi32>, vector<16xi32>], vector<16xf32>,
        %parallel_loop3A_297 = arith.constant 0 : i32
        %parallel_loop3A_298 = arith.index_cast %parallel_loop3A_297 : i32 to index
        %parallel_loop3A_299 = arith.index_cast %parallel_loop3A_289 : i32 to index
        %parallel_loop3A_300 = arith.constant 0 : index
        %parallel_loop3A_301 = tpu.vector_load %arg7[%parallel_loop3A_298, %parallel_loop3A_299, %parallel_loop3A_300] {strides = array<i32>} : memref<2x200x64xf32, #tpu.memory_space<vmem>>, vector<16xf32>,
        tpu.vector_store %arg7[%parallel_loop3A_298, %parallel_loop3A_299, %parallel_loop3A_300], %parallel_loop3A_296 {strides = array<i32>} : memref<2x200x64xf32, #tpu.memory_space<vmem>>, vector<16xf32>,
        %parallel_loop3A_302 = arith.constant 0 : i32
        %parallel_loop3A_303 = arith.constant 0 : i32
        %parallel_loop3A_304 = arith.constant 0 : i32
        %parallel_loop3A_305 = tpu.memref_slice %arg6[%parallel_loop3A_302, %parallel_loop3A_303, %parallel_loop3A_304] : memref<2x200x128xf32, #tpu.memory_space<vmem>> -> memref<1x200x128xf32, #tpu.memory_space<vmem>>
        %parallel_loop3A_306 = tpu.memref_squeeze %parallel_loop3A_305 : memref<1x200x128xf32, #tpu.memory_space<vmem>> -> memref<200x128xf32, #tpu.memory_space<vmem>>
        %parallel_loop3A_307 = tpu.vector_load_idx %parallel_loop3A_306[%parallel_loop3A_290, %get3A_5] : memref<200x128xf32, #tpu.memory_space<vmem>>[vector<16xi32>, vector<16xi32>], vector<16xf32>,
        %parallel_loop3A_308 = arith.constant 0 : i32
        %parallel_loop3A_309 = arith.index_cast %parallel_loop3A_308 : i32 to index
        %parallel_loop3A_310 = arith.index_cast %parallel_loop3A_289 : i32 to index
        %parallel_loop3A_311 = arith.constant 16 : index
        %parallel_loop3A_312 = tpu.vector_load %arg7[%parallel_loop3A_309, %parallel_loop3A_310, %parallel_loop3A_311] {strides = array<i32>} : memref<2x200x64xf32, #tpu.memory_space<vmem>>, vector<16xf32>,
        tpu.vector_store %arg7[%parallel_loop3A_309, %parallel_loop3A_310, %parallel_loop3A_311], %parallel_loop3A_307 {strides = array<i32>} : memref<2x200x64xf32, #tpu.memory_space<vmem>>, vector<16xf32>,
        %parallel_loop3A_313 = arith.constant 0 : i32
        %parallel_loop3A_314 = arith.constant 0 : i32
        %parallel_loop3A_315 = arith.constant 0 : i32
        %parallel_loop3A_316 = tpu.memref_slice %arg6[%parallel_loop3A_313, %parallel_loop3A_314, %parallel_loop3A_315] : memref<2x200x128xf32, #tpu.memory_space<vmem>> -> memref<1x200x128xf32, #tpu.memory_space<vmem>>
        %parallel_loop3A_317 = tpu.memref_squeeze %parallel_loop3A_316 : memref<1x200x128xf32, #tpu.memory_space<vmem>> -> memref<200x128xf32, #tpu.memory_space<vmem>>
        %parallel_loop3A_318 = tpu.vector_load_idx %parallel_loop3A_317[%parallel_loop3A_290, %get3A_7] : memref<200x128xf32, #tpu.memory_space<vmem>>[vector<16xi32>, vector<16xi32>], vector<16xf32>,
        %parallel_loop3A_319 = arith.constant 0 : i32
        %parallel_loop3A_320 = arith.index_cast %parallel_loop3A_319 : i32 to index
        %parallel_loop3A_321 = arith.index_cast %parallel_loop3A_289 : i32 to index
        %parallel_loop3A_322 = arith.constant 32 : index
        %parallel_loop3A_323 = tpu.vector_load %arg7[%parallel_loop3A_320, %parallel_loop3A_321, %parallel_loop3A_322] {strides = array<i32>} : memref<2x200x64xf32, #tpu.memory_space<vmem>>, vector<16xf32>,
        tpu.vector_store %arg7[%parallel_loop3A_320, %parallel_loop3A_321, %parallel_loop3A_322], %parallel_loop3A_318 {strides = array<i32>} : memref<2x200x64xf32, #tpu.memory_space<vmem>>, vector<16xf32>,
        %parallel_loop3A_324 = arith.constant 0 : i32
        %parallel_loop3A_325 = arith.constant 0 : i32
        %parallel_loop3A_326 = arith.constant 0 : i32
        %parallel_loop3A_327 = tpu.memref_slice %arg6[%parallel_loop3A_324, %parallel_loop3A_325, %parallel_loop3A_326] : memref<2x200x128xf32, #tpu.memory_space<vmem>> -> memref<1x200x128xf32, #tpu.memory_space<vmem>>
        %parallel_loop3A_328 = tpu.memref_squeeze %parallel_loop3A_327 : memref<1x200x128xf32, #tpu.memory_space<vmem>> -> memref<200x128xf32, #tpu.memory_space<vmem>>
        %parallel_loop3A_329 = tpu.vector_load_idx %parallel_loop3A_328[%parallel_loop3A_290, %get3A_9] : memref<200x128xf32, #tpu.memory_space<vmem>>[vector<16xi32>, vector<16xi32>], vector<16xf32>,
        %parallel_loop3A_330 = arith.constant 0 : i32
        %parallel_loop3A_331 = arith.index_cast %parallel_loop3A_330 : i32 to index
        %parallel_loop3A_332 = arith.index_cast %parallel_loop3A_289 : i32 to index
        %parallel_loop3A_333 = arith.constant 48 : index
        %parallel_loop3A_334 = tpu.vector_load %arg7[%parallel_loop3A_331, %parallel_loop3A_332, %parallel_loop3A_333] {strides = array<i32>} : memref<2x200x64xf32, #tpu.memory_space<vmem>>, vector<16xf32>,
        tpu.vector_store %arg7[%parallel_loop3A_331, %parallel_loop3A_332, %parallel_loop3A_333], %parallel_loop3A_329 {strides = array<i32>} : memref<2x200x64xf32, #tpu.memory_space<vmem>>, vector<16xf32>,
      } {sc.loop_unroll_factor = 8 : i64, sc.parallel_access}
      %mul3A_209 = arith.constant 200 : i32
      %mul3A_210 = arith.muli %add3A_172, %mul3A_209 : i32
      %add3A_211 = arith.addi %mul3A_2, %mul3A_210 : i32
      %dma_start3A_212 = arith.constant 0 : i32
      %dma_start3A_213 = arith.constant 0 : i32
      %dma_start3A_214 = arith.constant 0 : i32
      %dma_start3A_215 = tpu.memref_slice %arg7[%dma_start3A_212, %dma_start3A_213, %dma_start3A_214] : memref<2x200x64xf32, #tpu.memory_space<vmem>> -> memref<1x200x64xf32, #tpu.memory_space<vmem>>
      %dma_start3A_216 = tpu.memref_squeeze %dma_start3A_215 : memref<1x200x64xf32, #tpu.memory_space<vmem>> -> memref<200x64xf32, #tpu.memory_space<vmem>>
      %dma_start3A_217 = arith.constant 0 : i32
      %dma_start3A_218 = tpu.memref_slice %arg4[%add3A_211, %dma_start3A_217] : memref<819200x64xf32, #tpu.memory_space<hbm>> -> memref<200x64xf32, #tpu.memory_space<hbm>>
      %dma_start3A_219 = arith.constant 0 : i32
      %dma_start3A_220 = tpu.memref_slice %arg4[%add3A_211, %dma_start3A_219] : memref<819200x64xf32, #tpu.memory_space<hbm>> -> memref<200x64xf32, #tpu.memory_space<hbm>>
      %dma_start3A_221 = arith.constant 0 : i32
      %dma_start3A_222 = arith.constant 0 : i32
      %dma_start3A_223 = tpu.memref_slice %arg7[%dma_start3A_212, %dma_start3A_221, %dma_start3A_222] : memref<2x200x64xf32, #tpu.memory_space<vmem>> -> memref<1x200x64xf32, #tpu.memory_space<vmem>>
      %dma_start3A_224 = tpu.memref_squeeze %dma_start3A_223 : memref<1x200x64xf32, #tpu.memory_space<vmem>> -> memref<200x64xf32, #tpu.memory_space<vmem>>
      tpu.enqueue_dma source(%dma_start3A_224 : memref<200x64xf32, #tpu.memory_space<vmem>>) target(%dma_start3A_220 : memref<200x64xf32, #tpu.memory_space<hbm>>) target_semaphore(%arg10 : memref<!tpu.dma_semaphore, #tpu.memory_space<semaphore_mem>>)
      %lt3A = arith.constant 63 : i32
      %lt3A_225 = arith.cmpi slt, %scan3A_168, %lt3A : i32
      %convert_element_type3A = arith.extui %lt3A_225 : i1 to i32
      %cond3A = arith.constant 0 : i32
      %cond3A_226 = arith.cmpi ne, %convert_element_type3A, %cond3A : i32
      scf.if %cond3A_226 {
        %add3A_289 = arith.constant 2 : i32
        %add3A_290 = arith.addi %add3A_172, %add3A_289 : i32
        %mul3A_291 = arith.constant 200 : i32
        %mul3A_292 = arith.muli %add3A_290, %mul3A_291 : i32
        %add3A_293 = arith.addi %mul3A_2, %mul3A_292 : i32
        %dma_start3A_294 = arith.constant 0 : i32
        %dma_start3A_295 = arith.constant 0 : i32
        %dma_start3A_296 = arith.constant 0 : i32
        %dma_start3A_297 = tpu.memref_slice %arg6[%dma_start3A_294, %dma_start3A_295, %dma_start3A_296] : memref<2x200x128xf32, #tpu.memory_space<vmem>> -> memref<1x200x128xf32, #tpu.memory_space<vmem>>
        %dma_start3A_298 = tpu.memref_squeeze %dma_start3A_297 : memref<1x200x128xf32, #tpu.memory_space<vmem>> -> memref<200x128xf32, #tpu.memory_space<vmem>>
        %dma_start3A_299 = arith.constant 0 : i32
        %dma_start3A_300 = tpu.memref_slice %arg2[%add3A_293, %dma_start3A_299] : memref<819200x128xf32, #tpu.memory_space<hbm>> -> memref<200x128xf32, #tpu.memory_space<hbm>>
        %dma_start3A_301 = arith.constant 0 : i32
        %dma_start3A_302 = arith.constant 0 : i32
        %dma_start3A_303 = tpu.memref_slice %arg6[%dma_start3A_294, %dma_start3A_301, %dma_start3A_302] : memref<2x200x128xf32, #tpu.memory_space<vmem>> -> memref<1x200x128xf32, #tpu.memory_space<vmem>>
        %dma_start3A_304 = tpu.memref_squeeze %dma_start3A_303 : memref<1x200x128xf32, #tpu.memory_space<vmem>> -> memref<200x128xf32, #tpu.memory_space<vmem>>
        %dma_start3A_305 = arith.constant 0 : i32
        %dma_start3A_306 = tpu.memref_slice %arg2[%add3A_293, %dma_start3A_305] : memref<819200x128xf32, #tpu.memory_space<hbm>> -> memref<200x128xf32, #tpu.memory_space<hbm>>
        tpu.enqueue_dma source(%dma_start3A_306 : memref<200x128xf32, #tpu.memory_space<hbm>>) target(%dma_start3A_304 : memref<200x128xf32, #tpu.memory_space<vmem>>) target_semaphore(%arg8 : memref<!tpu.dma_semaphore, #tpu.memory_space<semaphore_mem>>)
      } else {
      }
      %mul3A_227 = arith.constant 2 : i32
      %mul3A_228 = arith.muli %mul3A_227, %scan3A_168 : i32
      %add3A_229 = arith.constant 1 : i32
      %add3A_230 = arith.addi %mul3A_228, %add3A_229 : i32
      %mul3A_231 = arith.constant 200 : i32
      %mul3A_232 = arith.muli %add3A_230, %mul3A_231 : i32
      %add3A_233 = arith.addi %mul3A_2, %mul3A_232 : i32
      %dma_wait3A_234 = arith.constant 1 : i32
      %dma_wait3A_235 = arith.constant 0 : i32
      %dma_wait3A_236 = arith.constant 0 : i32
      %dma_wait3A_237 = tpu.memref_slice %arg6[%dma_wait3A_234, %dma_wait3A_235, %dma_wait3A_236] : memref<2x200x128xf32, #tpu.memory_space<vmem>> -> memref<1x200x128xf32, #tpu.memory_space<vmem>>
      %dma_wait3A_238 = tpu.memref_squeeze %dma_wait3A_237 : memref<1x200x128xf32, #tpu.memory_space<vmem>> -> memref<200x128xf32, #tpu.memory_space<vmem>>
      %dma_wait3A_239 = arith.constant 0 : i32
      %dma_wait3A_240 = tpu.memref_slice %arg2[%add3A_233, %dma_wait3A_239] : memref<819200x128xf32, #tpu.memory_space<hbm>> -> memref<200x128xf32, #tpu.memory_space<hbm>>
      %dma_wait3A_241 = arith.constant 0 : i32
      %dma_wait3A_242 = arith.constant 0 : i32
      %dma_wait3A_243 = tpu.memref_slice %arg6[%dma_wait3A_234, %dma_wait3A_241, %dma_wait3A_242] : memref<2x200x128xf32, #tpu.memory_space<vmem>> -> memref<1x200x128xf32, #tpu.memory_space<vmem>>
      %dma_wait3A_244 = tpu.memref_squeeze %dma_wait3A_243 : memref<1x200x128xf32, #tpu.memory_space<vmem>> -> memref<200x128xf32, #tpu.memory_space<vmem>>
      %dma_wait3A_245 = arith.constant 0 : i32
      %dma_wait3A_246 = tpu.memref_slice %arg2[%add3A_233, %dma_wait3A_245] : memref<819200x128xf32, #tpu.memory_space<hbm>> -> memref<200x128xf32, #tpu.memory_space<hbm>>
      tpu.wait_dma2 semaphore(%arg9 : memref<!tpu.dma_semaphore, #tpu.memory_space<semaphore_mem>>) src(%dma_wait3A_246 : memref<200x128xf32, #tpu.memory_space<hbm>>) dst(%dma_wait3A_244 : memref<200x128xf32, #tpu.memory_space<vmem>>)
      %sub3A_247 = arith.constant 2 : i32
      %sub3A_248 = arith.subi %add3A_230, %sub3A_247 : i32
      %mul3A_249 = arith.constant 200 : i32
      %mul3A_250 = arith.muli %sub3A_248, %mul3A_249 : i32
      %add3A_251 = arith.addi %mul3A_2, %mul3A_250 : i32
      %dma_wait3A_252 = arith.constant 1 : i32
      %dma_wait3A_253 = arith.constant 0 : i32
      %dma_wait3A_254 = arith.constant 0 : i32
      %dma_wait3A_255 = tpu.memref_slice %arg7[%dma_wait3A_252, %dma_wait3A_253, %dma_wait3A_254] : memref<2x200x64xf32, #tpu.memory_space<vmem>> -> memref<1x200x64xf32, #tpu.memory_space<vmem>>
      %dma_wait3A_256 = tpu.memref_squeeze %dma_wait3A_255 : memref<1x200x64xf32, #tpu.memory_space<vmem>> -> memref<200x64xf32, #tpu.memory_space<vmem>>
      %dma_wait3A_257 = arith.constant 0 : i32
      %dma_wait3A_258 = tpu.memref_slice %arg4[%add3A_251, %dma_wait3A_257] : memref<819200x64xf32, #tpu.memory_space<hbm>> -> memref<200x64xf32, #tpu.memory_space<hbm>>
      %dma_wait3A_259 = arith.constant 0 : i32
      %dma_wait3A_260 = tpu.memref_slice %arg4[%add3A_251, %dma_wait3A_259] : memref<819200x64xf32, #tpu.memory_space<hbm>> -> memref<200x64xf32, #tpu.memory_space<hbm>>
      %dma_wait3A_261 = arith.constant 0 : i32
      %dma_wait3A_262 = arith.constant 0 : i32
      %dma_wait3A_263 = tpu.memref_slice %arg7[%dma_wait3A_252, %dma_wait3A_261, %dma_wait3A_262] : memref<2x200x64xf32, #tpu.memory_space<vmem>> -> memref<1x200x64xf32, #tpu.memory_space<vmem>>
      %dma_wait3A_264 = tpu.memref_squeeze %dma_wait3A_263 : memref<1x200x64xf32, #tpu.memory_space<vmem>> -> memref<200x64xf32, #tpu.memory_space<vmem>>
      tpu.wait_dma2 semaphore(%arg11 : memref<!tpu.dma_semaphore, #tpu.memory_space<semaphore_mem>>) src(%dma_wait3A_264 : memref<200x64xf32, #tpu.memory_space<vmem>>) dst(%dma_wait3A_260 : memref<200x64xf32, #tpu.memory_space<hbm>>)
      %parallel_loop3A_265 = arith.constant 0 : i32
      %parallel_loop3A_266 = arith.constant 200 : i32
      %parallel_loop3A_267 = arith.constant 1 : i32
      scf.for %parallel_loop3A_289 = %parallel_loop3A_265 to %parallel_loop3A_266 step %parallel_loop3A_267  : i32 {
        %parallel_loop3A_290 = vector.broadcast %parallel_loop3A_289 : i32 to vector<16xi32>
        %parallel_loop3A_291 = arith.constant 1 : i32
        %parallel_loop3A_292 = arith.constant 0 : i32
        %parallel_loop3A_293 = arith.constant 0 : i32
        %parallel_loop3A_294 = tpu.memref_slice %arg6[%parallel_loop3A_291, %parallel_loop3A_292, %parallel_loop3A_293] : memref<2x200x128xf32, #tpu.memory_space<vmem>> -> memref<1x200x128xf32, #tpu.memory_space<vmem>>
        %parallel_loop3A_295 = tpu.memref_squeeze %parallel_loop3A_294 : memref<1x200x128xf32, #tpu.memory_space<vmem>> -> memref<200x128xf32, #tpu.memory_space<vmem>>
        %parallel_loop3A_296 = tpu.vector_load_idx %parallel_loop3A_295[%parallel_loop3A_290, %get3A_3] : memref<200x128xf32, #tpu.memory_space<vmem>>[vector<16xi32>, vector<16xi32>], vector<16xf32>,
        %parallel_loop3A_297 = arith.constant 1 : i32
        %parallel_loop3A_298 = arith.index_cast %parallel_loop3A_297 : i32 to index
        %parallel_loop3A_299 = arith.index_cast %parallel_loop3A_289 : i32 to index
        %parallel_loop3A_300 = arith.constant 0 : index
        %parallel_loop3A_301 = tpu.vector_load %arg7[%parallel_loop3A_298, %parallel_loop3A_299, %parallel_loop3A_300] {strides = array<i32>} : memref<2x200x64xf32, #tpu.memory_space<vmem>>, vector<16xf32>,
        tpu.vector_store %arg7[%parallel_loop3A_298, %parallel_loop3A_299, %parallel_loop3A_300], %parallel_loop3A_296 {strides = array<i32>} : memref<2x200x64xf32, #tpu.memory_space<vmem>>, vector<16xf32>,
        %parallel_loop3A_302 = arith.constant 1 : i32
        %parallel_loop3A_303 = arith.constant 0 : i32
        %parallel_loop3A_304 = arith.constant 0 : i32
        %parallel_loop3A_305 = tpu.memref_slice %arg6[%parallel_loop3A_302, %parallel_loop3A_303, %parallel_loop3A_304] : memref<2x200x128xf32, #tpu.memory_space<vmem>> -> memref<1x200x128xf32, #tpu.memory_space<vmem>>
        %parallel_loop3A_306 = tpu.memref_squeeze %parallel_loop3A_305 : memref<1x200x128xf32, #tpu.memory_space<vmem>> -> memref<200x128xf32, #tpu.memory_space<vmem>>
        %parallel_loop3A_307 = tpu.vector_load_idx %parallel_loop3A_306[%parallel_loop3A_290, %get3A_5] : memref<200x128xf32, #tpu.memory_space<vmem>>[vector<16xi32>, vector<16xi32>], vector<16xf32>,
        %parallel_loop3A_308 = arith.constant 1 : i32
        %parallel_loop3A_309 = arith.index_cast %parallel_loop3A_308 : i32 to index
        %parallel_loop3A_310 = arith.index_cast %parallel_loop3A_289 : i32 to index
        %parallel_loop3A_311 = arith.constant 16 : index
        %parallel_loop3A_312 = tpu.vector_load %arg7[%parallel_loop3A_309, %parallel_loop3A_310, %parallel_loop3A_311] {strides = array<i32>} : memref<2x200x64xf32, #tpu.memory_space<vmem>>, vector<16xf32>,
        tpu.vector_store %arg7[%parallel_loop3A_309, %parallel_loop3A_310, %parallel_loop3A_311], %parallel_loop3A_307 {strides = array<i32>} : memref<2x200x64xf32, #tpu.memory_space<vmem>>, vector<16xf32>,
        %parallel_loop3A_313 = arith.constant 1 : i32
        %parallel_loop3A_314 = arith.constant 0 : i32
        %parallel_loop3A_315 = arith.constant 0 : i32
        %parallel_loop3A_316 = tpu.memref_slice %arg6[%parallel_loop3A_313, %parallel_loop3A_314, %parallel_loop3A_315] : memref<2x200x128xf32, #tpu.memory_space<vmem>> -> memref<1x200x128xf32, #tpu.memory_space<vmem>>
        %parallel_loop3A_317 = tpu.memref_squeeze %parallel_loop3A_316 : memref<1x200x128xf32, #tpu.memory_space<vmem>> -> memref<200x128xf32, #tpu.memory_space<vmem>>
        %parallel_loop3A_318 = tpu.vector_load_idx %parallel_loop3A_317[%parallel_loop3A_290, %get3A_7] : memref<200x128xf32, #tpu.memory_space<vmem>>[vector<16xi32>, vector<16xi32>], vector<16xf32>,
        %parallel_loop3A_319 = arith.constant 1 : i32
        %parallel_loop3A_320 = arith.index_cast %parallel_loop3A_319 : i32 to index
        %parallel_loop3A_321 = arith.index_cast %parallel_loop3A_289 : i32 to index
        %parallel_loop3A_322 = arith.constant 32 : index
        %parallel_loop3A_323 = tpu.vector_load %arg7[%parallel_loop3A_320, %parallel_loop3A_321, %parallel_loop3A_322] {strides = array<i32>} : memref<2x200x64xf32, #tpu.memory_space<vmem>>, vector<16xf32>,
        tpu.vector_store %arg7[%parallel_loop3A_320, %parallel_loop3A_321, %parallel_loop3A_322], %parallel_loop3A_318 {strides = array<i32>} : memref<2x200x64xf32, #tpu.memory_space<vmem>>, vector<16xf32>,
        %parallel_loop3A_324 = arith.constant 1 : i32
        %parallel_loop3A_325 = arith.constant 0 : i32
        %parallel_loop3A_326 = arith.constant 0 : i32
        %parallel_loop3A_327 = tpu.memref_slice %arg6[%parallel_loop3A_324, %parallel_loop3A_325, %parallel_loop3A_326] : memref<2x200x128xf32, #tpu.memory_space<vmem>> -> memref<1x200x128xf32, #tpu.memory_space<vmem>>
        %parallel_loop3A_328 = tpu.memref_squeeze %parallel_loop3A_327 : memref<1x200x128xf32, #tpu.memory_space<vmem>> -> memref<200x128xf32, #tpu.memory_space<vmem>>
        %parallel_loop3A_329 = tpu.vector_load_idx %parallel_loop3A_328[%parallel_loop3A_290, %get3A_9] : memref<200x128xf32, #tpu.memory_space<vmem>>[vector<16xi32>, vector<16xi32>], vector<16xf32>,
        %parallel_loop3A_330 = arith.constant 1 : i32
        %parallel_loop3A_331 = arith.index_cast %parallel_loop3A_330 : i32 to index
        %parallel_loop3A_332 = arith.index_cast %parallel_loop3A_289 : i32 to index
        %parallel_loop3A_333 = arith.constant 48 : index
        %parallel_loop3A_334 = tpu.vector_load %arg7[%parallel_loop3A_331, %parallel_loop3A_332, %parallel_loop3A_333] {strides = array<i32>} : memref<2x200x64xf32, #tpu.memory_space<vmem>>, vector<16xf32>,
        tpu.vector_store %arg7[%parallel_loop3A_331, %parallel_loop3A_332, %parallel_loop3A_333], %parallel_loop3A_329 {strides = array<i32>} : memref<2x200x64xf32, #tpu.memory_space<vmem>>, vector<16xf32>,
      } {sc.loop_unroll_factor = 8 : i64, sc.parallel_access}
      %mul3A_268 = arith.constant 200 : i32
      %mul3A_269 = arith.muli %add3A_230, %mul3A_268 : i32
      %add3A_270 = arith.addi %mul3A_2, %mul3A_269 : i32
      %dma_start3A_271 = arith.constant 1 : i32
      %dma_start3A_272 = arith.constant 0 : i32
      %dma_start3A_273 = arith.constant 0 : i32
      %dma_start3A_274 = tpu.memref_slice %arg7[%dma_start3A_271, %dma_start3A_272, %dma_start3A_273] : memref<2x200x64xf32, #tpu.memory_space<vmem>> -> memref<1x200x64xf32, #tpu.memory_space<vmem>>
      %dma_start3A_275 = tpu.memref_squeeze %dma_start3A_274 : memref<1x200x64xf32, #tpu.memory_space<vmem>> -> memref<200x64xf32, #tpu.memory_space<vmem>>
      %dma_start3A_276 = arith.constant 0 : i32
      %dma_start3A_277 = tpu.memref_slice %arg4[%add3A_270, %dma_start3A_276] : memref<819200x64xf32, #tpu.memory_space<hbm>> -> memref<200x64xf32, #tpu.memory_space<hbm>>
      %dma_start3A_278 = arith.constant 0 : i32
      %dma_start3A_279 = tpu.memref_slice %arg4[%add3A_270, %dma_start3A_278] : memref<819200x64xf32, #tpu.memory_space<hbm>> -> memref<200x64xf32, #tpu.memory_space<hbm>>
      %dma_start3A_280 = arith.constant 0 : i32
      %dma_start3A_281 = arith.constant 0 : i32
      %dma_start3A_282 = tpu.memref_slice %arg7[%dma_start3A_271, %dma_start3A_280, %dma_start3A_281] : memref<2x200x64xf32, #tpu.memory_space<vmem>> -> memref<1x200x64xf32, #tpu.memory_space<vmem>>
      %dma_start3A_283 = tpu.memref_squeeze %dma_start3A_282 : memref<1x200x64xf32, #tpu.memory_space<vmem>> -> memref<200x64xf32, #tpu.memory_space<vmem>>
      tpu.enqueue_dma source(%dma_start3A_283 : memref<200x64xf32, #tpu.memory_space<vmem>>) target(%dma_start3A_279 : memref<200x64xf32, #tpu.memory_space<hbm>>) target_semaphore(%arg11 : memref<!tpu.dma_semaphore, #tpu.memory_space<semaphore_mem>>)
      %lt3A_284 = arith.constant 63 : i32
      %lt3A_285 = arith.cmpi slt, %scan3A_168, %lt3A_284 : i32
      %convert_element_type3A_286 = arith.extui %lt3A_285 : i1 to i32
      %cond3A_287 = arith.constant 0 : i32
      %cond3A_288 = arith.cmpi ne, %convert_element_type3A_286, %cond3A_287 : i32
      scf.if %cond3A_288 {
        %add3A_289 = arith.constant 2 : i32
        %add3A_290 = arith.addi %add3A_230, %add3A_289 : i32
        %mul3A_291 = arith.constant 200 : i32
        %mul3A_292 = arith.muli %add3A_290, %mul3A_291 : i32
        %add3A_293 = arith.addi %mul3A_2, %mul3A_292 : i32
        %dma_start3A_294 = arith.constant 1 : i32
        %dma_start3A_295 = arith.constant 0 : i32
        %dma_start3A_296 = arith.constant 0 : i32
        %dma_start3A_297 = tpu.memref_slice %arg6[%dma_start3A_294, %dma_start3A_295, %dma_start3A_296] : memref<2x200x128xf32, #tpu.memory_space<vmem>> -> memref<1x200x128xf32, #tpu.memory_space<vmem>>
        %dma_start3A_298 = tpu.memref_squeeze %dma_start3A_297 : memref<1x200x128xf32, #tpu.memory_space<vmem>> -> memref<200x128xf32, #tpu.memory_space<vmem>>
        %dma_start3A_299 = arith.constant 0 : i32
        %dma_start3A_300 = tpu.memref_slice %arg2[%add3A_293, %dma_start3A_299] : memref<819200x128xf32, #tpu.memory_space<hbm>> -> memref<200x128xf32, #tpu.memory_space<hbm>>
        %dma_start3A_301 = arith.constant 0 : i32
        %dma_start3A_302 = arith.constant 0 : i32
        %dma_start3A_303 = tpu.memref_slice %arg6[%dma_start3A_294, %dma_start3A_301, %dma_start3A_302] : memref<2x200x128xf32, #tpu.memory_space<vmem>> -> memref<1x200x128xf32, #tpu.memory_space<vmem>>
        %dma_start3A_304 = tpu.memref_squeeze %dma_start3A_303 : memref<1x200x128xf32, #tpu.memory_space<vmem>> -> memref<200x128xf32, #tpu.memory_space<vmem>>
        %dma_start3A_305 = arith.constant 0 : i32
        %dma_start3A_306 = tpu.memref_slice %arg2[%add3A_293, %dma_start3A_305] : memref<819200x128xf32, #tpu.memory_space<hbm>> -> memref<200x128xf32, #tpu.memory_space<hbm>>
        tpu.enqueue_dma source(%dma_start3A_306 : memref<200x128xf32, #tpu.memory_space<hbm>>) target(%dma_start3A_304 : memref<200x128xf32, #tpu.memory_space<vmem>>) target_semaphore(%arg9 : memref<!tpu.dma_semaphore, #tpu.memory_space<semaphore_mem>>)
      } else {
      }
    }
    %scan3A_137 = arith.constant 63 : i32
    %add3A_138 = arith.constant 25200 : i32
    %add3A_139 = arith.addi %mul3A_2, %add3A_138 : i32
    %dma_wait3A_140 = arith.constant 0 : i32
    %dma_wait3A_141 = arith.constant 0 : i32
    %dma_wait3A_142 = arith.constant 0 : i32
    %dma_wait3A_143 = tpu.memref_slice %arg7[%dma_wait3A_140, %dma_wait3A_141, %dma_wait3A_142] : memref<2x200x64xf32, #tpu.memory_space<vmem>> -> memref<1x200x64xf32, #tpu.memory_space<vmem>>
    %dma_wait3A_144 = tpu.memref_squeeze %dma_wait3A_143 : memref<1x200x64xf32, #tpu.memory_space<vmem>> -> memref<200x64xf32, #tpu.memory_space<vmem>>
    %dma_wait3A_145 = arith.constant 0 : i32
    %dma_wait3A_146 = tpu.memref_slice %arg4[%add3A_139, %dma_wait3A_145] : memref<819200x64xf32, #tpu.memory_space<hbm>> -> memref<200x64xf32, #tpu.memory_space<hbm>>
    %dma_wait3A_147 = arith.constant 0 : i32
    %dma_wait3A_148 = tpu.memref_slice %arg4[%add3A_139, %dma_wait3A_147] : memref<819200x64xf32, #tpu.memory_space<hbm>> -> memref<200x64xf32, #tpu.memory_space<hbm>>
    %dma_wait3A_149 = arith.constant 0 : i32
    %dma_wait3A_150 = arith.constant 0 : i32
    %dma_wait3A_151 = tpu.memref_slice %arg7[%dma_wait3A_140, %dma_wait3A_149, %dma_wait3A_150] : memref<2x200x64xf32, #tpu.memory_space<vmem>> -> memref<1x200x64xf32, #tpu.memory_space<vmem>>
    %dma_wait3A_152 = tpu.memref_squeeze %dma_wait3A_151 : memref<1x200x64xf32, #tpu.memory_space<vmem>> -> memref<200x64xf32, #tpu.memory_space<vmem>>
    tpu.wait_dma2 semaphore(%arg10 : memref<!tpu.dma_semaphore, #tpu.memory_space<semaphore_mem>>) src(%dma_wait3A_152 : memref<200x64xf32, #tpu.memory_space<vmem>>) dst(%dma_wait3A_148 : memref<200x64xf32, #tpu.memory_space<hbm>>)
    %add3A_153 = arith.constant 25400 : i32
    %add3A_154 = arith.addi %mul3A_2, %add3A_153 : i32
    %dma_wait3A_155 = arith.constant 1 : i32
    %dma_wait3A_156 = arith.constant 0 : i32
    %dma_wait3A_157 = arith.constant 0 : i32
    %dma_wait3A_158 = tpu.memref_slice %arg7[%dma_wait3A_155, %dma_wait3A_156, %dma_wait3A_157] : memref<2x200x64xf32, #tpu.memory_space<vmem>> -> memref<1x200x64xf32, #tpu.memory_space<vmem>>
    %dma_wait3A_159 = tpu.memref_squeeze %dma_wait3A_158 : memref<1x200x64xf32, #tpu.memory_space<vmem>> -> memref<200x64xf32, #tpu.memory_space<vmem>>
    %dma_wait3A_160 = arith.constant 0 : i32
    %dma_wait3A_161 = tpu.memref_slice %arg4[%add3A_154, %dma_wait3A_160] : memref<819200x64xf32, #tpu.memory_space<hbm>> -> memref<200x64xf32, #tpu.memory_space<hbm>>
    %dma_wait3A_162 = arith.constant 0 : i32
    %dma_wait3A_163 = tpu.memref_slice %arg4[%add3A_154, %dma_wait3A_162] : memref<819200x64xf32, #tpu.memory_space<hbm>> -> memref<200x64xf32, #tpu.memory_space<hbm>>
    %dma_wait3A_164 = arith.constant 0 : i32
    %dma_wait3A_165 = arith.constant 0 : i32
    %dma_wait3A_166 = tpu.memref_slice %arg7[%dma_wait3A_155, %dma_wait3A_164, %dma_wait3A_165] : memref<2x200x64xf32, #tpu.memory_space<vmem>> -> memref<1x200x64xf32, #tpu.memory_space<vmem>>
    %dma_wait3A_167 = tpu.memref_squeeze %dma_wait3A_166 : memref<1x200x64xf32, #tpu.memory_space<vmem>> -> memref<200x64xf32, #tpu.memory_space<vmem>>
    tpu.wait_dma2 semaphore(%arg11 : memref<!tpu.dma_semaphore, #tpu.memory_space<semaphore_mem>>) src(%dma_wait3A_167 : memref<200x64xf32, #tpu.memory_space<vmem>>) dst(%dma_wait3A_163 : memref<200x64xf32, #tpu.memory_space<hbm>>)
    return
  }
}

</mosaic_0001>

<sc_bundles>
// kernel: _select_rows.3.cloned.1.call-start
scs
__scs_entry_jumppad:
0x0: {  	(pc) =	sbr.rel $0x88, $3  }
0x1: {  	(tag) =	ssettag $0x0;
	lr =	simm.s32 $0x1  }
0x2: {  	[smem:$0x3F9F] =	sst lr;
	_ =	strace $0xD0000000  }
0x3: {  	_ = 	snop  }
0x4: {  	_ = 	snop  }
0x5: {  	_ = 	snop  }
0x6: {  	_ = 	snop  }
0x7: {  	_ = 	snop  }
__scs_overlays_trampoline_lowered:
0x8: {  	[smem:$0x3FAE] =	sst s0  }
0x9: {  	[smem:$0x3FAF] =	sst s1  }
0xa: {  	[smem:$0x3FB0] =	sst s2  }
0xb: {  	[smem:$0x3FB1] =	sst s3  }
0xc: {  	[smem:$0x3FB2] =	sst s4  }
0xd: {  	[smem:$0x3FB3] =	sst s5  }
0xe: {  	[smem:$0x3FB4] =	sst s6  }
0xf: {  	[smem:$0x3FB5] =	sst s7  }
0x10: {  	[smem:$0x3FB6] =	sst s8  }
0x11: {  	[smem:$0x3FB7] =	sst s9;
	s0 =	simm.s32 @!p0 $0x0  }
0x12: {  	s1 =	sld [smem:$0x3F9D];
	s0 =	simm.s32 @p0 $0x1  }
0x13: {  	[smem:$0x3FB8] =	sst s0;
	s0 =	simm.s32 @!p1 $0x0  }
0x14: {  	s2 =	sld [smem:$0x3F9C];
	s0 =	simm.s32 @p1 $0x1  }
0x15: {  	[smem:$0x3FB9] =	sst s0;
	s0 =	simm.s32 @!p2 $0x0  }
0x16: {  	s3 =	sld [smem:$0x3FDB];
	s0 =	simm.s32 @p2 $0x1  }
0x17: {  	s4 =	simm.s32 $0x1BF5;
	[smem:$0x3FBB] =	sst s0  }
0x18: {  	s0 =	sld [smem:$0x3F9E];
	_ =	swait.ge [sflag:s4], $0x0  }
0x19: {  	s7 =	sld [smem:$0x3F9F]  }
0x1a: {  	s8 =	sadd.s32 $0xFFFFE003, lr  }
0x1b: {  	s9 =	sadd.s32 $0xFFFFFEF7, lr;
	s5 =	simm.s32 $0xFFFFFFFF;
	p2 =	slt.u32 s8, $0xFFFFF086  }
0x1c: {  	p1 =	slt.u32 s9, $0xF7A;
	s5 =	simm.s32 @!p2 $0x0  }
0x1d: {  	s5 =	simm.s32 @p1 $0x1;
	p0 =	seq.s32 s7, s2  }
0x1e: {  	s7 =	smul.u32 @!p0 $0xF7A, s2;
	p2 =	seq.s32 @!p0 s5, $0x0  }
0x1f: {  	s9 =	smul.u32 $0xF7A, s1;
	s8 =	simm.s32 @!p0 $0x1BF5;
	p2 =	por !p2, p0  }
0x20: {  	[sflag:s8] =	ssyncset.s32 @!p0 $0xFFFFF086;
	s6 =	sadd.s32 @!p0 s3, s7;
	s7 =	simm.s32 @!p0 $0x108  }
0x21: {  	s3 =	sadd.s32 s3, s9;
	s6 =	sadd.s32 @!p0 $0x88, s6;
	s7 =	simm.s32 @p2 $0x1082  }
0x22: {  	[simem:s7], [sflag:s8] =	dma.local @!p0 [hbm:s6], $0xF7A  }
0x23: {  	s9 =	sor.u32 $0xD0000000, s2;
	s6 =	simm.s32 $0x108;
	_ =	swait.ge @!p0 [sflag:s8], $0x0  }
0x24: {  	s3 =	sadd.s32 $0x88, s3;
	s6 =	simm.s32 @!p1 $0x1082;
	[sflag:s4] =	ssyncset.s32 $0xFFFFF086  }
0x25: {  	[simem:s6], [sflag:s4] =	dma.local [hbm:s3], $0xF7A  }
0x26: {  	[smem:$0x3F9F] =	sst s1;
	(tag) =	ssettag s2;
	_ =	strace s9  }
0x27: {  	s1 =	sld [smem:$0x3FAF]  }
0x28: {  	s2 =	sld [smem:$0x3FB0]  }
0x29: {  	s4 =	sld [smem:$0x3FB2]  }
0x2a: {  	p0 =	seq.s32 s5, $0x0;
	s5 =	sld [smem:$0x3FB3]  }
0x2b: {  	s6 =	sld [smem:$0x3FB4]  }
0x2c: {  	s7 =	sld [smem:$0x3FB5]  }
0x2d: {  	s3 =	simm.s32 $0x108;
	s8 =	sld [smem:$0x3FB6]  }
0x2e: {  	s3 =	simm.s32 @!p0 $0x1082;
	s9 =	sld [smem:$0x3FB7]  }
0x2f: {  	lr =	sadd.s32 s0, s3;
	s0 =	sld [smem:$0x3FAE]  }
0x30: {  	s3 =	sld [smem:$0x3FB1]  }
0x31: {  	[smem:$0x3FBA] =	sst s10  }
0x32: {  	s10 =	sld [smem:$0x3FB8];
	_ =	sdelay $0x3  }
0x33: {  	p0 =	seq.s32 s10, $0x1;
	s10 =	sld [smem:$0x3FBA];
	_ =	sdelay $0x3  }
0x34: {  	[smem:$0x3FBA] =	sst s10  }
0x35: {  	s10 =	sld [smem:$0x3FB9];
	_ =	sdelay $0x3  }
0x36: {  	p1 =	seq.s32 s10, $0x1;
	s10 =	sld [smem:$0x3FBA];
	_ =	sdelay $0x3  }
0x37: {  	[smem:$0x3FBA] =	sst s10  }
0x38: {  	s10 =	sld [smem:$0x3FBB]  }
0x39: {  	_ = 	snop;
	(pc) =	sbr.ind lr, $3  }
0x3a: {  	_ = 	snop  }
0x3b: {  	_ = 	snop  }
0x3c: {  	p2 =	seq.s32 s10, $0x1;
	s10 =	sld [smem:$0x3FBA]  }
0x3d: {  	_ =	shalt  }
0x3e: {  	_ =	shalt  }
0x3f: {  	_ =	shalt  }
0x40: {  	_ =	shalt  }
0x41: {  	_ =	shalt  }
0x42: {  	_ =	shalt  }
0x43: {  	_ =	shalt  }
0x44: {  	_ =	shalt  }
0x45: {  	_ =	shalt  }
0x46: {  	_ =	shalt  }
0x47: {  	_ =	shalt  }
0x48: {  	_ =	shalt  }
0x49: {  	_ =	shalt  }
0x4a: {  	_ =	shalt  }
0x4b: {  	_ =	shalt  }
0x4c: {  	_ =	shalt  }
0x4d: {  	_ =	shalt  }
0x4e: {  	_ =	shalt  }
0x4f: {  	_ =	shalt  }
0x50: {  	_ =	shalt  }
0x51: {  	_ =	shalt  }
0x52: {  	_ =	shalt  }
0x53: {  	_ =	shalt  }
0x54: {  	_ =	shalt  }
0x55: {  	_ =	shalt  }
0x56: {  	_ =	shalt  }
0x57: {  	_ =	shalt  }
0x58: {  	_ =	shalt  }
0x59: {  	_ =	shalt  }
0x5a: {  	_ =	shalt  }
0x5b: {  	_ =	shalt  }
0x5c: {  	_ =	shalt  }
0x5d: {  	_ =	shalt  }
0x5e: {  	_ =	shalt  }
0x5f: {  	_ =	shalt  }
0x60: {  	_ =	shalt  }
0x61: {  	_ =	shalt  }
0x62: {  	_ =	shalt  }
0x63: {  	_ =	shalt  }
0x64: {  	_ =	shalt  }
0x65: {  	_ =	shalt  }
0x66: {  	_ =	shalt  }
0x67: {  	_ =	shalt  }
0x68: {  	_ =	shalt  }
0x69: {  	_ =	shalt  }
0x6a: {  	_ =	shalt  }
0x6b: {  	_ =	shalt  }
0x6c: {  	_ =	shalt  }
0x6d: {  	_ =	shalt  }
0x6e: {  	_ =	shalt  }
0x6f: {  	_ =	shalt  }
0x70: {  	_ =	shalt  }
0x71: {  	_ =	shalt  }
0x72: {  	_ =	shalt  }
0x73: {  	_ =	shalt  }
0x74: {  	_ =	shalt  }
0x75: {  	_ =	shalt  }
0x76: {  	_ =	shalt  }
0x77: {  	_ =	shalt  }
0x78: {  	_ =	shalt  }
0x79: {  	_ =	shalt  }
0x7a: {  	_ =	shalt  }
0x7b: {  	_ =	shalt  }
0x7c: {  	_ =	shalt  }
0x7d: {  	_ =	shalt  }
0x7e: {  	_ =	shalt  }
0x7f: {  	_ =	shalt  }
0x80: {  	_ =	shalt  }
0x81: {  	_ =	shalt  }
0x82: {  	_ =	shalt  }
0x83: {  	_ =	shalt  }
0x84: {  	_ =	shalt  }
0x85: {  	_ =	shalt  }
0x86: {  	_ =	shalt  }
0x87: {  	_ =	shalt  }
.Lfunc_end0:
.L_simem_size_0:
called_computation_lowered:
.L_overlay_start_0:
0x88: {  	s2 =	sld [smem:$0x3FD9]  }
0x89: {  	s3 =	sld [smem:$0x3FFE];
	_ =	sdelay $0x1  }
0x8a: {  	s1 =	srdreg.scid  }
0x8b: {  	s0 =	sand.u32 $0x1, s1  }
0x8c: {  	s17 =	sshll.u32 s0, $0xA;
	s2 =	sadd.s32 s3, s2  }
0x8d: {  	s2 =	sadd.s32 s2, s17  }
0x8e: {  	[smem:$0x3FC6] =	sst s2  }
0x8f: {  	_ = 	snop  }
0x90: {  	s2 =	sld [smem:$0x3FC9]  }
0x91: {  	s18 =	sld [smem:$0x3FC8];
	(tm) =	ssettm $0x1  }
0x92: {  	s4 =	sld [smem:$0x3FFB];
	_ =	sdelay $0x3  }
0x93: {  	_ =	strace s4  }
0x94: {  	s4 =	sld [smem:$0x3FFC];
	_ =	sdelay $0x3  }
0x95: {  	_ =	strace s4  }
0x96: {  	s4 =	sld [smem:$0x3FFD];
	_ =	sdelay $0x3  }
0x97: {  	_ =	strace s4  }
0x98: {  	_ =	strace $0x8FFFFFFF  }
0x99: {  	s19 =	sld [smem:$0x3FDB];
	_ =	sdelay $0x1  }
0x9a: {  	s5 =	simm.s32 $_scs_section_size  }
0x9b: {  	s6 =	simm.s32 $_size__tile_overlayer_lowered;
	s7 =	simm.s32 $_tile_overlayer_lowered  }
0x9c: {  	s22 =	simm.s32 $0x1BFF;
	s21 =	sshll.u32 s7, $0x1;
	s4 =	sadd.s32 s5, s19  }
0x9d: {  	s8 =	simm.s32 $0x0;
	s20 =	sshll.u32 s6, $0x1;
	s6 =	sadd.s32 s21, s4  }
0x9e: {  	[timem:s8], [sflag:s22] =	dma.local [hbm:s6], s20  }
0x9f: {  	_ =	swait.ge [sflag:s22], s20  }
0xa0: {  	s5 =	ssub.s32 $0x0, s20;
	[sflag:s22] =	ssyncset.done $0x0  }
0xa1: {  	[sflag:s22] =	ssyncadd.s32 s5;
	_ =	sdelay $0x1  }
0xa2: {  	s23 =	simm.s32 $0x1B8B  }
0xa3: {  	_ =	swait.ge [sflag:s23], $0x1  }
0xa4: {  	[sflag:s23] =	ssyncset.done $0x0  }
0xa5: {  	s25 =	simm.s32 $0x1B8E;
	s24 =	sld [smem:$0x3FFE];
	[sflag:s23] =	ssyncadd.s32 $0xFFFFFFFF  }
0xa6: {  	s26 =	simm.s32 $execute0_lowered;
	[smem:$0x3FD2] =	sst s25  }
0xa7: {  	s6 =	sshll.u32 s26, $0x1;
	_ =	strace $0x80000046;
	[dreg:$0x1] =	wrdreg $0xFFFFFFFF  }
0xa8: {  	s28 =	simm.s32 $_size_execute0_lowered;
	s4 =	sadd.s32 s4, s6;
	[dreg:$0x0] =	wrdreg $0x0  }
0xa9: {  	s6 =	sshll.u32 s28, $0x1;
	[dreg:$0x2] =	wrdreg s4  }
0xaa: {  	[dreg:$0x3] =	wrdreg s6  }
0xab: {  	[dreg:$0x4] =	wrdreg $0xC0  }
0xac: {  	_ =	task [dreg:s8], $0x5FFFF  }
0xad: {  	[dreg:$0x1] =	wrdreg $0xFFFFFFFF  }
0xae: {  	[dreg:$0x0] =	wrdreg $0x60  }
0xaf: {  	[dreg:$0x2] =	wrdreg s2  }
0xb0: {  	[dreg:$0x3] =	wrdreg s18  }
0xb1: {  	[dreg:$0x4] =	wrdreg s24  }
0xb2: {  	[dreg:$0x5] =	wrdreg $0x9  }
0xb3: {  	_ =	task.clear_ibuf [dreg:s8], $0x6FFFF;
	_ =	strace $0x90000046  }
0xb4: {  	s29 =	simm.s32 $0x9;
	_ =	strace $0x80000048  }
0xb5: {  	_ =	swait.ge [sflag:s29], $0x1  }
0xb6: {  	[sflag:s29] =	ssyncadd.s32 $0xFFFFFFFF  }
0xb7: {  	_ =	strace $0x90000048  }
0xb8: {  	_ =	sfence  }
0xb9: {  	s30 =	sld [smem:$0x0];
	_ =	sdelay $0x2  }
0xba: {  	s31 =	sshll.u32 s1, $0xD;
	s1 =	sshrl.u32 s1, $0x2  }
0xbb: {  	s3 =	sand.u32 $0x4000, s31;
	s1 =	sadd.s32 s1, s30  }
0xbc: {  	s0 =	sor.u32 s3, s0;
	s1 =	sshll.u32 s1, $0x11  }
0xbd: {  	s0 =	sor.u32 s1, s0  }
0xbe: {  	s0 =	sadd.s32 $0x8F2B, s0  }
0xbf: {  	[sflag:s0] =	ssyncadd.remote.s32 $0x1  }
0xc0: {  	_ =	sfence.sel $0xFFFF  }
0xc1: {  	[dreg:$0x0] =	wrdreg $0xFFFFFFFF;
	(pc) =	sbr.abs _section_cstart, $3  }
0xc2: {  	[dreg:$0x1] =	wrdreg $0xFFFFFFFF  }
0xc3: {  	_ =	task.clear_ibuf [dreg:s8], $0x2FFFF;
	_ =	strace $0x9FFFFFFF  }
0xc4: {  	(tm) =	ssettm $0x7FFFFFFF  }
0xc5: {  	_ =	shalt  }
tec
execute0_lowered:
.L_overlay_start_1:
0x0: {  	(tag) =	ssettag $0x1  }
0x1: {  	s1 =	rddreg [dreg:$0x0]  }
0x2: {  	s0 =	srdreg.scid;
	s3 =	stileid.u32  }
0x3: {  	s2 =	rddreg [dreg:$0x2];
	s4 =	simm.s32 $0x0;
	s17 =	simm.s32 $0x5  }
0x4: {  	s18 =	simm.s32 $0x80;
	s19 =	simm.s32 $0x6480;
	s20 =	simm.s32 $0x1  }
0x5: {  	s21 =	simm.s32 $0xC880;
	s0 =	sand.u32 $0x1, s0;
	s3 =	sshll.u32 s3, $0x1  }
0x6: {  	s22 =	simm.s32 $0x2;
	s23 =	simm.s32 $0x12C80;
	s3 =	sor.u32 s0, s3  }
0x7: {  	s24 =	simm.s32 $0x3;
	s0 =	ssub.s32 $0x2, s0;
	s7 =	smul.u32 $0x64000, s3  }
0x8: {  	[smem:$0x7FF] =	sst s4;
	s5 =	sadd.s32 $0x400, s2;
	s6 =	sshrl.u32 s0, $0x1  }
0x9: {  	s28 =	sor.u32 $0xC80, s7;
	s29 =	sadd.s32 s1, s7;
	s7 =	sadd.s32 s5, s7  }
0xa: {  	_ =	strace $0x80000047;
	s0 =	ssub.s32 s0, s6;
	[dreg:$0x6] =	wrdreg s7  }
0xb: {  	s25 =	simm.s32 $0x4;
	s0 =	smax.u32 s0, $0x1;
	[dreg:$0x4] =	wrdreg s29  }
.Ltmp0:
0xc: {  	s8 =	sadd.s32 s1, s28;
	[dreg:$0xa] =	wrdreg s0;
	(pc) =	sbr.rel .LBB2_1-.Ltmp0, $4  }
0xd: {  	s6 =	smul.u32 $0x6400, s3;
	s30 =	sadd.s32 $0x1900, s29;
	[dreg:$0x5] =	wrdreg s8  }
0xe: {  	s26 =	simm.s32 $0x0;
	s2 =	sadd.s32 s5, s28;
	[dreg:$0x7] =	wrdreg s30  }
0xf: {  	s31 =	sadd.s32 $0x2580, s29;
	s13 =	sor.u32 $0x190, s6;
	[dreg:$0x8] =	wrdreg s2  }
0x10: {  	s14 =	sor.u32 $0xC8, s6;
	s15 =	sor.u32 $0x258, s6;
	[dreg:$0x9] =	wrdreg s31  }
.LBB2_12:
0x11: {  	_ =	swait.ge [sflag:s24], $0x6400  }
0x12: {  	[sflag:s24] =	ssyncset.done $0x0  }
0x13: {  	[sflag:s24] =	ssyncadd.s32 $0xFFFF9C00  }
0x14: {  	_ =	swait.ge [sflag:s25], $0x6400  }
0x15: {  	s26 =	sadd.s32 $0x1, s26;
	s0 =	rddreg [dreg:$0xa]  }
0x16: {  	p0 =	sne.s32 s26, s0  }
.Ltmp1:
0x17: {  	_ = 	snop;
	(pc) =	sbr.rel @!p0 .LBB2_13-.Ltmp1, $3  }
0x18: {  	_ =	sdelay $0x1  }
0x19: {  	[sflag:s25] =	ssyncset.done $0x0  }
0x1a: {  	[sflag:s25] =	ssyncadd.s32 $0xFFFF9C00  }
.LBB2_1:
0x1b: {  	s0 =	rddreg [dreg:$0x1]  }
0x1c: {  	[tilespmem:s4], [sflag:$0x5] =	stream.linear.gather [hbm4b:s0+s4], $0x80, $0x38;
	[tilespmem:$0x19080] =	vst v63  }
0x1d: {  	_ =	swait.ge [sflag:s17], $0x80  }
0x1e: {  	[sflag:s17] =	ssyncset.done $0x0  }
0x1f: {  	[sflag:s17] =	ssyncadd.s32 $0xFFFFFF80  }
0x20: {  	v0 =	vld [tilespmem:$0x0];
	_ =	sdelay $0x1  }
0x21: {  	v1 =	vld [tilespmem:$0x10]  }
0x22: {  	s2 =	simm.s32 $0x0;
	s12 =	rddreg [dreg:$0x4];
	v2 =	vld [tilespmem:$0x20]  }
0x23: {  	v3 =	vld [tilespmem:$0x30];
	[tilespmem:s18], [sflag:$0x1] =	stream.linear.gather [hbm4b:s12+s4], $0x6400, $0x38  }
0x24: {  	s31 =	simm.s32 $0x80;
	s3 =	simm.s32 $0x100;
	s16 =	rddreg [dreg:$0x5];
	v4 =	vadd.s32 s2, v0  }
0x25: {  	[tilespmem:s19], [sflag:$0x2] =	stream.linear.gather [hbm4b:s16+s4], $0x6400, $0x38;
	v5 =	vadd.s32 s31, v0;
	[tilespmem:$0x19080] =	vst v63  }
0x26: {  	s10 =	simm.s32 $0x180;
	_ =	swait.ge [sflag:s20], $0x6400;
	v6 =	vadd.s32 s3, v0  }
0x27: {  	s9 =	simm.s32 $0x200;
	[sflag:s20] =	ssyncset.done $0x0;
	v7 =	vadd.s32 s10, v0  }
0x28: {  	s28 =	simm.s32 $0x280;
	[sflag:s20] =	ssyncadd.s32 $0xFFFF9C00;
	v8 =	vadd.s32 s9, v0  }
0x29: {  	s8 =	simm.s32 $0x300;
	v9 =	vadd.s32 s28, v0;
	v4 =	vld.idx.msk [tilespmem:v4+s18+$0x0], $0xffff  }
0x2a: {  	s7 =	simm.s32 $0x380;
	v10 =	vadd.s32 s8, v0;
	v5 =	vld.idx.msk [tilespmem:v5+s18+$0x0], $0xffff  }
0x2b: {  	v11 =	vadd.s32 s7, v0;
	v6 =	vld.idx.msk [tilespmem:v6+s18+$0x0], $0xffff  }
0x2c: {  	v12 =	vadd.s32 s31, v1;
	v7 =	vld.idx.msk [tilespmem:v7+s18+$0x0], $0xffff  }
0x2d: {  	s29 =	simm.s32 $0xCA80;
	v13 =	vadd.s32 s2, v1;
	v8 =	vld.idx.msk [tilespmem:v8+s18+$0x0], $0xffff  }
0x2e: {  	v14 =	vadd.s32 s3, v1;
	v9 =	vld.idx.msk [tilespmem:v9+s18+$0x0], $0xffff;
	[tilespmem:s29+$0xFFFFFE00] =	vst v4  }
0x2f: {  	v15 =	vadd.s32 s10, v1;
	v4 =	vld.idx.msk [tilespmem:v10+s18+$0x0], $0xffff;
	[tilespmem:s29+$0xFFFFFE80] =	vst v5  }
0x30: {  	v10 =	vadd.s32 s9, v1;
	v5 =	vld.idx.msk [tilespmem:v11+s18+$0x0], $0xffff;
	[tilespmem:s29+$0xFFFFFF00] =	vst v6  }
0x31: {  	v11 =	vadd.s32 s28, v1;
	[tilespmem:s29+$0xFFFFFF80] =	vst v7;
	v12 =	vld.idx.msk [tilespmem:v12+s18+$0x0], $0xffff  }
0x32: {  	v6 =	vadd.s32 s8, v1;
	[tilespmem:s29+$0x0] =	vst v8;
	v13 =	vld.idx.msk [tilespmem:v13+s18+$0x0], $0xffff  }
0x33: {  	v7 =	vadd.s32 s7, v1;
	[tilespmem:s29+$0x80] =	vst v9;
	v14 =	vld.idx.msk [tilespmem:v14+s18+$0x0], $0xffff  }
0x34: {  	v8 =	vadd.s32 s2, v2;
	v15 =	vld.idx.msk [tilespmem:v15+s18+$0x0], $0xffff;
	[tilespmem:s29+$0x100] =	vst v4  }
0x35: {  	v9 =	vadd.s32 s3, v2;
	v10 =	vld.idx.msk [tilespmem:v10+s18+$0x0], $0xffff;
	[tilespmem:s29+$0x180] =	vst v5  }
0x36: {  	v4 =	vadd.s32 s10, v2;
	v11 =	vld.idx.msk [tilespmem:v11+s18+$0x0], $0xffff;
	[tilespmem:s29+$0xFFFFFE90] =	vst v12  }
0x37: {  	v5 =	vld.idx.msk [tilespmem:v6+s18+$0x0], $0xffff;
	v12 =	vadd.s32 s28, v2;
	[tilespmem:s29+$0xFFFFFE10] =	vst v13  }
0x38: {  	v13 =	vadd.s32 s8, v2;
	v7 =	vld.idx.msk [tilespmem:v7+s18+$0x0], $0xffff;
	[tilespmem:s29+$0xFFFFFF10] =	vst v14  }
0x39: {  	[tilespmem:s29+$0xFFFFFF90] =	vst v15;
	v15 =	vadd.s32 s7, v2;
	v8 =	vld.idx.msk [tilespmem:v8+s18+$0x0], $0xffff  }
0x3a: {  	v14 =	vadd.s32 s31, v2;
	v6 =	vld.idx.msk [tilespmem:v9+s18+$0x0], $0xffff  }
0x3b: {  	v18 =	vadd.s32 s9, v2;
	v17 =	vld.idx.msk [tilespmem:v4+s18+$0x0], $0xffff;
	[tilespmem:s29+$0x90] =	vst v11  }
0x3c: {  	v11 =	vadd.s32 s10, v3;
	v4 =	vld.idx.msk [tilespmem:v12+s18+$0x0], $0xffff;
	[tilespmem:s29+$0x110] =	vst v5  }
0x3d: {  	v16 =	vadd.s32 s2, v3;
	[tilespmem:s29+$0x190] =	vst v7;
	v9 =	vld.idx.msk [tilespmem:v13+s18+$0x0], $0xffff  }
0x3e: {  	[tilespmem:s29+$0xFFFFFE20] =	vst v8;
	v8 =	vld.idx.msk [tilespmem:v15+s18+$0x0], $0xffff;
	v15 =	vadd.s32 s3, v3  }
0x3f: {  	[tilespmem:s29+$0x10] =	vst v10;
	v7 =	vld.idx.msk [tilespmem:v14+s18+$0x0], $0xffff;
	v14 =	vadd.s32 s8, v3  }
0x40: {  	v10 =	vld.idx.msk [tilespmem:v18+s18+$0x0], $0xffff;
	v13 =	vadd.s32 s31, v3;
	[tilespmem:s29+$0xFFFFFFA0] =	vst v17  }
0x41: {  	s30 =	simm.s32 $0x8;
	s2 =	simm.s32 $0xCA80;
	v5 =	vadd.s32 s9, v3;
	v12 =	vadd.s32 s7, v3;
	v11 =	vld.idx.msk [tilespmem:v11+s18+$0x0], $0xffff  }
.LBB2_2:
0x42: {  	s8 =	sshll.u32 s30, $0x7;
	p0 =	slt.u32 s30, $0xC0;
	s30 =	sadd.s32 $0x8, s30;
	v16 =	vld.idx.msk [tilespmem:v16+s18+$0x0], $0xffff;
	[tilespmem:s29+$0xFFFFFF20] =	vst v6  }
0x43: {  	v6 =	vadd.s32 s8, v0;
	s3 =	sadd.s32 $0x80, s8;
	s10 =	sadd.s32 $0x180, s8;
	s0 =	sadd.s32 $0x380, s8;
	v15 =	vld.idx.msk [tilespmem:v15+s18+$0x0], $0xffff;
	[tilespmem:s29+$0x120] =	vst v9  }
0x44: {  	s9 =	sadd.s32 $0x100, s8;
	s11 =	sadd.s32 $0x200, s8;
	s16 =	sadd.s32 $0x280, s8;
	v9 =	vadd.s32 s3, v0;
	v17 =	vadd.s32 s10, v1;
	[tilespmem:s29+$0xFFFFFEA0] =	vst v7;
	v7 =	vld.idx.msk [tilespmem:v14+s18+$0x0], $0xffff  }
0x45: {  	v14 =	vadd.s32 s9, v0;
	v18 =	vadd.s32 s16, v1;
	v13 =	vld.idx.msk [tilespmem:v13+s18+$0x0], $0xffff;
	[tilespmem:s29+$0x1A0] =	vst v8  }
0x46: {  	v19 =	vadd.s32 s11, v3;
	v8 =	vadd.s32 s10, v0;
	[tilespmem:s29+$0x20] =	vst v10;
	v10 =	vld.idx.msk [tilespmem:v12+s18+$0x0], $0xffff  }
0x47: {  	v12 =	vadd.s32 s11, v0;
	[tilespmem:s29+$0xFFFFFFB0] =	vst v11;
	v11 =	vld.idx.msk [tilespmem:v5+s18+$0x0], $0xffff;
	v5 =	vmov v19  }
0x48: {  	s12 =	sadd.s32 $0x300, s8;
	v19 =	vadd.s32 s16, v0;
	v6 =	vld.idx.msk [tilespmem:v6+s18+$0x0], $0xffff;
	[tilespmem:s29+$0xFFFFFE30] =	vst v16  }
0x49: {  	v16 =	vadd.s32 s12, v0;
	v9 =	vld.idx.msk [tilespmem:v9+s18+$0x0], $0xffff;
	[tilespmem:s29+$0xFFFFFF30] =	vst v15  }
0x4a: {  	v15 =	vadd.s32 s0, v0;
	v14 =	vld.idx.msk [tilespmem:v14+s18+$0x0], $0xffff;
	[tilespmem:s29+$0x130] =	vst v7  }
0x4b: {  	v20 =	vadd.s32 s3, v1;
	v7 =	vadd.s32 s8, v1;
	v8 =	vld.idx.msk [tilespmem:v8+s18+$0x0], $0xffff;
	[tilespmem:s29+$0xFFFFFEB0] =	vst v13  }
0x4c: {  	v13 =	vadd.s32 s9, v1;
	v12 =	vld.idx.msk [tilespmem:v12+s18+$0x0], $0xffff;
	[tilespmem:s29+$0x1B0] =	vst v10  }
0x4d: {  	s29 =	sadd.s32 $0x400, s29;
	v10 =	vld.idx.msk [tilespmem:v19+s18+$0x0], $0xffff;
	[tilespmem:s2+$0x30] =	vst v11  }
0x4e: {  	[tilespmem:s29+$0xFFFFFE00] =	vst v6;
	v6 =	vadd.s32 s11, v1;
	v11 =	vld.idx.msk [tilespmem:v16+s18+$0x0], $0xffff  }
0x4f: {  	[tilespmem:s29+$0xFFFFFE80] =	vst v9;
	v9 =	vld.idx.msk [tilespmem:v15+s18+$0x0], $0xffff  }
0x50: {  	v15 =	vld.idx.msk [tilespmem:v20+s18+$0x0], $0xffff;
	[tilespmem:s29+$0xFFFFFF00] =	vst v14;
	v14 =	vadd.s32 s12, v1  }
0x51: {  	v7 =	vld.idx.msk [tilespmem:v7+s18+$0x0], $0xffff;
	[tilespmem:s29+$0xFFFFFF80] =	vst v8;
	v8 =	vadd.s32 s0, v1  }
0x52: {  	v13 =	vld.idx.msk [tilespmem:v13+s18+$0x0], $0xffff;
	[tilespmem:s29+$0x0] =	vst v12  }
0x53: {  	v12 =	vadd.s32 s8, v2;
	v16 =	vld.idx.msk [tilespmem:v17+s18+$0x0], $0xffff;
	[tilespmem:s29+$0x80] =	vst v10  }
0x54: {  	v10 =	vadd.s32 s9, v2;
	v17 =	vld.idx.msk [tilespmem:v6+s18+$0x0], $0xffff;
	[tilespmem:s29+$0x100] =	vst v11  }
0x55: {  	v11 =	vadd.s32 s10, v2;
	v18 =	vld.idx.msk [tilespmem:v18+s18+$0x0], $0xffff;
	[tilespmem:s29+$0x180] =	vst v9  }
0x56: {  	[tilespmem:s29+$0xFFFFFE90] =	vst v15;
	v9 =	vld.idx.msk [tilespmem:v14+s18+$0x0], $0xffff;
	v14 =	vadd.s32 s28, v3;
	s28 =	smov.u32 s16  }
0x57: {  	v15 =	vadd.s32 s12, v2;
	[tilespmem:s29+$0xFFFFFE10] =	vst v7;
	v7 =	vadd.s32 s28, v2;
	v8 =	vld.idx.msk [tilespmem:v8+s18+$0x0], $0xffff  }
0x58: {  	v12 =	vld.idx.msk [tilespmem:v12+s18+$0x0], $0xffff;
	[tilespmem:s29+$0xFFFFFF10] =	vst v13  }
0x59: {  	v13 =	vadd.s32 s3, v2;
	v6 =	vld.idx.msk [tilespmem:v10+s18+$0x0], $0xffff;
	[tilespmem:s29+$0xFFFFFF90] =	vst v16  }
0x5a: {  	v10 =	vld.idx.msk [tilespmem:v11+s18+$0x0], $0xffff;
	v11 =	vadd.s32 s0, v2;
	[tilespmem:s2+$0xA0] =	vst v4  }
0x5b: {  	v19 =	vadd.s32 s11, v2;
	[tilespmem:s29+$0x90] =	vst v18;
	v18 =	vld.idx.msk [tilespmem:v14+s18+$0x0], $0xffff  }
0x5c: {  	v20 =	vadd.s32 s10, v3;
	v4 =	vld.idx.msk [tilespmem:v7+s18+$0x0], $0xffff;
	[tilespmem:s29+$0x110] =	vst v9  }
.Ltmp2:
0x5d: {  	v16 =	vadd.s32 s8, v3;
	v9 =	vld.idx.msk [tilespmem:v15+s18+$0x0], $0xffff;
	[tilespmem:s29+$0x190] =	vst v8;
	(pc) =	sbr.rel @p0 .LBB2_2-.Ltmp2, $4  }
0x5e: {  	v15 =	vadd.s32 s9, v3;
	v7 =	vld.idx.msk [tilespmem:v13+s18+$0x0], $0xffff;
	[tilespmem:s29+$0x10] =	vst v17  }
0x5f: {  	v14 =	vadd.s32 s12, v3;
	[tilespmem:s29+$0xFFFFFE20] =	vst v12;
	v8 =	vld.idx.msk [tilespmem:v11+s18+$0x0], $0xffff  }
0x60: {  	v13 =	vadd.s32 s3, v3;
	[tilespmem:s29+$0xFFFFFFA0] =	vst v10;
	v10 =	vld.idx.msk [tilespmem:v19+s18+$0x0], $0xffff  }
0x61: {  	v12 =	vadd.s32 s0, v3;
	v11 =	vld.idx.msk [tilespmem:v20+s18+$0x0], $0xffff;
	[tilespmem:s2+$0xB0] =	vst v18;
	s2 =	smov.u32 s29  }
0x62: {  	_ =	sdelay $0x1  }
0x63: {  	[tilespmem:s29+$0xFFFFFF20] =	vst v6  }
0x64: {  	[tilespmem:s29+$0x120] =	vst v9  }
0x65: {  	v6 =	vld.idx.msk [tilespmem:v16+s18+$0x0], $0xffff;
	[tilespmem:s29+$0xFFFFFEA0] =	vst v7  }
0x66: {  	v7 =	vld.idx.msk [tilespmem:v15+s18+$0x0], $0xffff;
	[tilespmem:s29+$0x1A0] =	vst v8;
	v8 =	vadd.s32 s28, v3  }
0x67: {  	[tilespmem:s2+$0xA0] =	vst v4;
	v9 =	vld.idx.msk [tilespmem:v14+s18+$0x0], $0xffff  }
0x68: {  	[tilespmem:s29+$0x20] =	vst v10;
	v10 =	vld.idx.msk [tilespmem:v13+s18+$0x0], $0xffff  }
0x69: {  	[tilespmem:s29+$0xFFFFFFB0] =	vst v11;
	v11 =	vld.idx.msk [tilespmem:v12+s18+$0x0], $0xffff  }
0x6a: {  	v5 =	vld.idx.msk [tilespmem:v5+s18+$0x0], $0xffff;
	[tilespmem:s29+$0xFFFFFE30] =	vst v6  }
0x6b: {  	[tilespmem:s29+$0xFFFFFF30] =	vst v7;
	v4 =	vld.idx.msk [tilespmem:v8+s18+$0x0], $0xffff  }
0x6c: {  	[tilespmem:s29+$0x130] =	vst v9  }
0x6d: {  	[tilespmem:s29+$0xFFFFFEB0] =	vst v10  }
0x6e: {  	[tilespmem:s29+$0x1B0] =	vst v11  }
0x6f: {  	[tilespmem:s2+$0x30] =	vst v5  }
0x70: {  	[tilespmem:s2+$0xB0] =	vst v4  }
0x71: {  	s0 =	simm.s32 $0x0;
	s16 =	simm.s32 $0x0;
	s2 =	rddreg [dreg:$0x6]  }
0x72: {  	[hbm4b:s2+s0] =	stream.linear.scatter [tilespmem:s21], [sflag:$0x3], $0x6400, $0x38;
	[tilespmem:$0x19080] =	vst v63  }
0x73: {  	s31 =	simm.s32 $0x80;
	s3 =	simm.s32 $0x100;
	v4 =	vadd.s32 s16, v0;
	s12 =	rddreg [dreg:$0x7]  }
0x74: {  	v5 =	vadd.s32 s31, v0;
	[tilespmem:s18], [sflag:$0x1] =	stream.linear.gather [hbm4b:s12+s0], $0x6400, $0x38;
	[tilespmem:$0x19080] =	vst v63  }
0x75: {  	s10 =	simm.s32 $0x180;
	v6 =	vadd.s32 s3, v0;
	_ =	swait.ge [sflag:s22], $0x6400  }
0x76: {  	s9 =	simm.s32 $0x200;
	v7 =	vadd.s32 s10, v0;
	[sflag:s22] =	ssyncset.done $0x0  }
0x77: {  	s28 =	simm.s32 $0x280;
	v8 =	vadd.s32 s9, v0;
	[sflag:s22] =	ssyncadd.s32 $0xFFFF9C00  }
0x78: {  	s8 =	simm.s32 $0x300;
	v9 =	vadd.s32 s28, v0;
	v4 =	vld.idx.msk [tilespmem:v4+s19+$0x0], $0xffff  }
0x79: {  	s7 =	simm.s32 $0x380;
	v10 =	vadd.s32 s8, v0;
	v5 =	vld.idx.msk [tilespmem:v5+s19+$0x0], $0xffff  }
0x7a: {  	v11 =	vadd.s32 s7, v0;
	v6 =	vld.idx.msk [tilespmem:v6+s19+$0x0], $0xffff  }
0x7b: {  	v12 =	vadd.s32 s31, v1;
	v7 =	vld.idx.msk [tilespmem:v7+s19+$0x0], $0xffff  }
0x7c: {  	v13 =	vadd.s32 s16, v1;
	s29 =	simm.s32 $0x13030;
	v8 =	vld.idx.msk [tilespmem:v8+s19+$0x0], $0xffff  }
0x7d: {  	v14 =	vadd.s32 s3, v1;
	v9 =	vld.idx.msk [tilespmem:v9+s19+$0x0], $0xffff;
	[tilespmem:s29+$0xFFFFFC50] =	vst v4  }
0x7e: {  	v15 =	vadd.s32 s10, v1;
	v4 =	vld.idx.msk [tilespmem:v10+s19+$0x0], $0xffff;
	[tilespmem:s29+$0xFFFFFCD0] =	vst v5  }
0x7f: {  	v10 =	vadd.s32 s9, v1;
	v5 =	vld.idx.msk [tilespmem:v11+s19+$0x0], $0xffff;
	[tilespmem:s29+$0xFFFFFD50] =	vst v6  }
0x80: {  	v11 =	vadd.s32 s28, v1;
	[tilespmem:s29+$0xFFFFFDD0] =	vst v7;
	v12 =	vld.idx.msk [tilespmem:v12+s19+$0x0], $0xffff  }
0x81: {  	v6 =	vadd.s32 s8, v1;
	[tilespmem:s29+$0xFFFFFE50] =	vst v8;
	v13 =	vld.idx.msk [tilespmem:v13+s19+$0x0], $0xffff  }
0x82: {  	v7 =	vadd.s32 s7, v1;
	[tilespmem:s29+$0xFFFFFED0] =	vst v9;
	v14 =	vld.idx.msk [tilespmem:v14+s19+$0x0], $0xffff  }
0x83: {  	v8 =	vadd.s32 s16, v2;
	v15 =	vld.idx.msk [tilespmem:v15+s19+$0x0], $0xffff;
	[tilespmem:s29+$0xFFFFFF50] =	vst v4  }
0x84: {  	v9 =	vadd.s32 s3, v2;
	v10 =	vld.idx.msk [tilespmem:v10+s19+$0x0], $0xffff;
	[tilespmem:s29+$0xFFFFFFD0] =	vst v5  }
0x85: {  	v4 =	vadd.s32 s10, v2;
	v11 =	vld.idx.msk [tilespmem:v11+s19+$0x0], $0xffff;
	[tilespmem:s29+$0xFFFFFCE0] =	vst v12  }
0x86: {  	v5 =	vld.idx.msk [tilespmem:v6+s19+$0x0], $0xffff;
	v12 =	vadd.s32 s28, v2;
	[tilespmem:s29+$0xFFFFFC60] =	vst v13  }
0x87: {  	v13 =	vadd.s32 s8, v2;
	v7 =	vld.idx.msk [tilespmem:v7+s19+$0x0], $0xffff;
	[tilespmem:s29+$0xFFFFFD60] =	vst v14  }
0x88: {  	[tilespmem:s29+$0xFFFFFDE0] =	vst v15;
	v15 =	vadd.s32 s7, v2;
	v8 =	vld.idx.msk [tilespmem:v8+s19+$0x0], $0xffff  }
0x89: {  	v14 =	vadd.s32 s31, v2;
	v6 =	vld.idx.msk [tilespmem:v9+s19+$0x0], $0xffff  }
0x8a: {  	v18 =	vadd.s32 s9, v2;
	v17 =	vld.idx.msk [tilespmem:v4+s19+$0x0], $0xffff;
	[tilespmem:s29+$0xFFFFFEE0] =	vst v11  }
0x8b: {  	v11 =	vadd.s32 s10, v3;
	v4 =	vld.idx.msk [tilespmem:v12+s19+$0x0], $0xffff;
	[tilespmem:s29+$0xFFFFFF60] =	vst v5  }
0x8c: {  	v16 =	vadd.s32 s16, v3;
	[tilespmem:s29+$0xFFFFFFE0] =	vst v7;
	v9 =	vld.idx.msk [tilespmem:v13+s19+$0x0], $0xffff  }
0x8d: {  	[tilespmem:s29+$0xFFFFFC70] =	vst v8;
	v8 =	vld.idx.msk [tilespmem:v15+s19+$0x0], $0xffff;
	v15 =	vadd.s32 s3, v3  }
0x8e: {  	[tilespmem:s29+$0xFFFFFE60] =	vst v10;
	v7 =	vld.idx.msk [tilespmem:v14+s19+$0x0], $0xffff;
	v14 =	vadd.s32 s8, v3  }
0x8f: {  	v10 =	vld.idx.msk [tilespmem:v18+s19+$0x0], $0xffff;
	v13 =	vadd.s32 s31, v3;
	[tilespmem:s29+$0xFFFFFDF0] =	vst v17  }
0x90: {  	s30 =	simm.s32 $0x8;
	s2 =	simm.s32 $0x13030;
	v5 =	vadd.s32 s9, v3;
	v12 =	vadd.s32 s7, v3;
	v11 =	vld.idx.msk [tilespmem:v11+s19+$0x0], $0xffff  }
.LBB2_4:
0x91: {  	s8 =	sshll.u32 s30, $0x7;
	p0 =	slt.u32 s30, $0xC0;
	s30 =	sadd.s32 $0x8, s30;
	v16 =	vld.idx.msk [tilespmem:v16+s19+$0x0], $0xffff;
	[tilespmem:s29+$0xFFFFFD70] =	vst v6  }
0x92: {  	v6 =	vadd.s32 s8, v0;
	s3 =	sadd.s32 $0x80, s8;
	s10 =	sadd.s32 $0x180, s8;
	s0 =	sadd.s32 $0x380, s8;
	v15 =	vld.idx.msk [tilespmem:v15+s19+$0x0], $0xffff;
	[tilespmem:s29+$0xFFFFFF70] =	vst v9  }
0x93: {  	s9 =	sadd.s32 $0x100, s8;
	s11 =	sadd.s32 $0x200, s8;
	s16 =	sadd.s32 $0x280, s8;
	v9 =	vadd.s32 s3, v0;
	v17 =	vadd.s32 s10, v1;
	[tilespmem:s29+$0xFFFFFCF0] =	vst v7;
	v7 =	vld.idx.msk [tilespmem:v14+s19+$0x0], $0xffff  }
0x94: {  	v14 =	vadd.s32 s9, v0;
	v18 =	vadd.s32 s16, v1;
	v13 =	vld.idx.msk [tilespmem:v13+s19+$0x0], $0xffff;
	[tilespmem:s29+$0xFFFFFFF0] =	vst v8  }
0x95: {  	v19 =	vadd.s32 s11, v3;
	v8 =	vadd.s32 s10, v0;
	[tilespmem:s29+$0xFFFFFE70] =	vst v10;
	v10 =	vld.idx.msk [tilespmem:v12+s19+$0x0], $0xffff  }
0x96: {  	v12 =	vadd.s32 s11, v0;
	[tilespmem:s29+$0xFFFFFE00] =	vst v11;
	v11 =	vld.idx.msk [tilespmem:v5+s19+$0x0], $0xffff;
	v5 =	vmov v19  }
0x97: {  	s12 =	sadd.s32 $0x300, s8;
	v19 =	vadd.s32 s16, v0;
	v6 =	vld.idx.msk [tilespmem:v6+s19+$0x0], $0xffff;
	[tilespmem:s29+$0xFFFFFC80] =	vst v16  }
0x98: {  	v16 =	vadd.s32 s12, v0;
	v9 =	vld.idx.msk [tilespmem:v9+s19+$0x0], $0xffff;
	[tilespmem:s29+$0xFFFFFD80] =	vst v15  }
0x99: {  	v15 =	vadd.s32 s0, v0;
	v14 =	vld.idx.msk [tilespmem:v14+s19+$0x0], $0xffff;
	[tilespmem:s29+$0xFFFFFF80] =	vst v7  }
0x9a: {  	v20 =	vadd.s32 s3, v1;
	v7 =	vadd.s32 s8, v1;
	v8 =	vld.idx.msk [tilespmem:v8+s19+$0x0], $0xffff;
	[tilespmem:s29+$0xFFFFFD00] =	vst v13  }
0x9b: {  	v13 =	vadd.s32 s9, v1;
	v12 =	vld.idx.msk [tilespmem:v12+s19+$0x0], $0xffff;
	[tilespmem:s29+$0x0] =	vst v10  }
0x9c: {  	s29 =	sadd.s32 $0x400, s29;
	v10 =	vld.idx.msk [tilespmem:v19+s19+$0x0], $0xffff;
	[tilespmem:s2+$0xFFFFFE80] =	vst v11  }
0x9d: {  	[tilespmem:s29+$0xFFFFFC50] =	vst v6;
	v6 =	vadd.s32 s11, v1;
	v11 =	vld.idx.msk [tilespmem:v16+s19+$0x0], $0xffff  }
0x9e: {  	[tilespmem:s29+$0xFFFFFCD0] =	vst v9;
	v9 =	vld.idx.msk [tilespmem:v15+s19+$0x0], $0xffff  }
0x9f: {  	v15 =	vld.idx.msk [tilespmem:v20+s19+$0x0], $0xffff;
	[tilespmem:s29+$0xFFFFFD50] =	vst v14;
	v14 =	vadd.s32 s12, v1  }
0xa0: {  	v7 =	vld.idx.msk [tilespmem:v7+s19+$0x0], $0xffff;
	[tilespmem:s29+$0xFFFFFDD0] =	vst v8;
	v8 =	vadd.s32 s0, v1  }
0xa1: {  	v13 =	vld.idx.msk [tilespmem:v13+s19+$0x0], $0xffff;
	[tilespmem:s29+$0xFFFFFE50] =	vst v12  }
0xa2: {  	v12 =	vadd.s32 s8, v2;
	v16 =	vld.idx.msk [tilespmem:v17+s19+$0x0], $0xffff;
	[tilespmem:s29+$0xFFFFFED0] =	vst v10  }
0xa3: {  	v10 =	vadd.s32 s9, v2;
	v17 =	vld.idx.msk [tilespmem:v6+s19+$0x0], $0xffff;
	[tilespmem:s29+$0xFFFFFF50] =	vst v11  }
0xa4: {  	v11 =	vadd.s32 s10, v2;
	v18 =	vld.idx.msk [tilespmem:v18+s19+$0x0], $0xffff;
	[tilespmem:s29+$0xFFFFFFD0] =	vst v9  }
0xa5: {  	[tilespmem:s29+$0xFFFFFCE0] =	vst v15;
	v9 =	vld.idx.msk [tilespmem:v14+s19+$0x0], $0xffff;
	v14 =	vadd.s32 s28, v3;
	s28 =	smov.u32 s16  }
0xa6: {  	v15 =	vadd.s32 s12, v2;
	[tilespmem:s29+$0xFFFFFC60] =	vst v7;
	v7 =	vadd.s32 s28, v2;
	v8 =	vld.idx.msk [tilespmem:v8+s19+$0x0], $0xffff  }
0xa7: {  	v12 =	vld.idx.msk [tilespmem:v12+s19+$0x0], $0xffff;
	[tilespmem:s29+$0xFFFFFD60] =	vst v13  }
0xa8: {  	v13 =	vadd.s32 s3, v2;
	v6 =	vld.idx.msk [tilespmem:v10+s19+$0x0], $0xffff;
	[tilespmem:s29+$0xFFFFFDE0] =	vst v16  }
0xa9: {  	v10 =	vld.idx.msk [tilespmem:v11+s19+$0x0], $0xffff;
	v11 =	vadd.s32 s0, v2;
	[tilespmem:s2+$0xFFFFFEF0] =	vst v4  }
0xaa: {  	v19 =	vadd.s32 s11, v2;
	[tilespmem:s29+$0xFFFFFEE0] =	vst v18;
	v18 =	vld.idx.msk [tilespmem:v14+s19+$0x0], $0xffff  }
0xab: {  	v20 =	vadd.s32 s10, v3;
	v4 =	vld.idx.msk [tilespmem:v7+s19+$0x0], $0xffff;
	[tilespmem:s29+$0xFFFFFF60] =	vst v9  }
.Ltmp3:
0xac: {  	v16 =	vadd.s32 s8, v3;
	v9 =	vld.idx.msk [tilespmem:v15+s19+$0x0], $0xffff;
	[tilespmem:s29+$0xFFFFFFE0] =	vst v8;
	(pc) =	sbr.rel @p0 .LBB2_4-.Ltmp3, $4  }
0xad: {  	v15 =	vadd.s32 s9, v3;
	v7 =	vld.idx.msk [tilespmem:v13+s19+$0x0], $0xffff;
	[tilespmem:s29+$0xFFFFFE60] =	vst v17  }
0xae: {  	v14 =	vadd.s32 s12, v3;
	[tilespmem:s29+$0xFFFFFC70] =	vst v12;
	v8 =	vld.idx.msk [tilespmem:v11+s19+$0x0], $0xffff  }
0xaf: {  	v13 =	vadd.s32 s3, v3;
	[tilespmem:s29+$0xFFFFFDF0] =	vst v10;
	v10 =	vld.idx.msk [tilespmem:v19+s19+$0x0], $0xffff  }
0xb0: {  	v12 =	vadd.s32 s0, v3;
	v11 =	vld.idx.msk [tilespmem:v20+s19+$0x0], $0xffff;
	[tilespmem:s2+$0xFFFFFF00] =	vst v18;
	s2 =	smov.u32 s29  }
0xb1: {  	_ =	sdelay $0x1  }
0xb2: {  	[tilespmem:s29+$0xFFFFFD70] =	vst v6  }
0xb3: {  	[tilespmem:s29+$0xFFFFFF70] =	vst v9  }
0xb4: {  	v59 =	vld.idx.msk [tilespmem:v16+s19+$0x0], $0xffff;
	[tilespmem:s2+$0xFFFFFEF0] =	vst v4  }
0xb5: {  	v61 =	vadd.s32 s28, v3;
	[tilespmem:s29+$0xFFFFFCF0] =	vst v7;
	v60 =	vld.idx.msk [tilespmem:v15+s19+$0x0], $0xffff  }
0xb6: {  	v9 =	vld.idx.msk [tilespmem:v14+s19+$0x0], $0xffff;
	[tilespmem:s29+$0xFFFFFFF0] =	vst v8  }
0xb7: {  	v62 =	vld.idx.msk [tilespmem:v13+s19+$0x0], $0xffff;
	[tilespmem:s29+$0xFFFFFE70] =	vst v10  }
0xb8: {  	v63 =	vld.idx.msk [tilespmem:v12+s19+$0x0], $0xffff;
	[tilespmem:s29+$0xFFFFFE00] =	vst v11  }
0xb9: {  	v5 =	vld.idx.msk [tilespmem:v5+s19+$0x0], $0xffff;
	[tilespmem:s29+$0xFFFFFC80] =	vst v59  }
0xba: {  	v4 =	vld.idx.msk [tilespmem:v61+s19+$0x0], $0xffff;
	[tilespmem:s29+$0xFFFFFD80] =	vst v60  }
0xbb: {  	[tilespmem:s29+$0xFFFFFF80] =	vst v9  }
0xbc: {  	[tilespmem:s29+$0xFFFFFD00] =	vst v62  }
0xbd: {  	[tilespmem:s29+$0x0] =	vst v63  }
0xbe: {  	[tilespmem:s2+$0xFFFFFE80] =	vst v5  }
0xbf: {  	[tilespmem:s2+$0xFFFFFF00] =	vst v4  }
0xc0: {  	s0 =	rddreg [dreg:$0x8]  }
0xc1: {  	[hbm4b:s0+s4] =	stream.linear.scatter [tilespmem:s23], [sflag:$0x4], $0x6400, $0x38;
	[tilespmem:$0x19080] =	vst v63  }
0xc2: {  	s28 =	simm.s32 $0x1;
	s31 =	rddreg [dreg:$0x9]  }
0xc3: {  	[tilespmem:s19], [sflag:$0x2] =	stream.linear.gather [hbm4b:s31+s4], $0x6400, $0x38;
	[tilespmem:$0x19080] =	vst v63  }
.LBB2_6:
0xc4: {  	_ =	swait.ge [sflag:s20], $0x6400;
	s2 =	simm.s32 $0x0  }
0xc5: {  	s0 =	simm.s32 $0x80;
	[sflag:s20] =	ssyncset.done $0x0;
	v4 =	vadd.s32 s2, v0  }
0xc6: {  	s3 =	simm.s32 $0x100;
	v5 =	vadd.s32 s0, v0;
	[sflag:s20] =	ssyncadd.s32 $0xFFFF9C00  }
0xc7: {  	s10 =	simm.s32 $0x180;
	v6 =	vadd.s32 s3, v0;
	_ =	swait.ge [sflag:s24], $0x6400  }
0xc8: {  	s9 =	simm.s32 $0x200;
	v7 =	vadd.s32 s10, v0;
	[sflag:s24] =	ssyncset.done $0x0  }
0xc9: {  	s29 =	simm.s32 $0x280;
	v8 =	vadd.s32 s9, v0;
	[sflag:s24] =	ssyncadd.s32 $0xFFFF9C00  }
0xca: {  	s8 =	simm.s32 $0x300;
	v9 =	vadd.s32 s29, v0;
	v4 =	vld.idx.msk [tilespmem:v4+s18+$0x0], $0xffff  }
0xcb: {  	s7 =	simm.s32 $0x380;
	v10 =	vadd.s32 s8, v0;
	v5 =	vld.idx.msk [tilespmem:v5+s18+$0x0], $0xffff  }
0xcc: {  	v11 =	vadd.s32 s7, v0;
	v6 =	vld.idx.msk [tilespmem:v6+s18+$0x0], $0xffff  }
0xcd: {  	v12 =	vadd.s32 s0, v1;
	v7 =	vld.idx.msk [tilespmem:v7+s18+$0x0], $0xffff  }
0xce: {  	s30 =	simm.s32 $0xCA80;
	v13 =	vadd.s32 s2, v1;
	v8 =	vld.idx.msk [tilespmem:v8+s18+$0x0], $0xffff  }
0xcf: {  	v14 =	vadd.s32 s3, v1;
	v9 =	vld.idx.msk [tilespmem:v9+s18+$0x0], $0xffff;
	[tilespmem:s30+$0xFFFFFE00] =	vst v4  }
0xd0: {  	v15 =	vadd.s32 s10, v1;
	v4 =	vld.idx.msk [tilespmem:v10+s18+$0x0], $0xffff;
	[tilespmem:s30+$0xFFFFFE80] =	vst v5  }
0xd1: {  	v10 =	vadd.s32 s9, v1;
	v5 =	vld.idx.msk [tilespmem:v11+s18+$0x0], $0xffff;
	[tilespmem:s30+$0xFFFFFF00] =	vst v6  }
0xd2: {  	v11 =	vadd.s32 s29, v1;
	[tilespmem:s30+$0xFFFFFF80] =	vst v7;
	v12 =	vld.idx.msk [tilespmem:v12+s18+$0x0], $0xffff  }
0xd3: {  	v6 =	vadd.s32 s8, v1;
	[tilespmem:s30+$0x0] =	vst v8;
	v13 =	vld.idx.msk [tilespmem:v13+s18+$0x0], $0xffff  }
0xd4: {  	v7 =	vadd.s32 s7, v1;
	[tilespmem:s30+$0x80] =	vst v9;
	v14 =	vld.idx.msk [tilespmem:v14+s18+$0x0], $0xffff  }
0xd5: {  	v8 =	vadd.s32 s2, v2;
	v15 =	vld.idx.msk [tilespmem:v15+s18+$0x0], $0xffff;
	[tilespmem:s30+$0x100] =	vst v4  }
0xd6: {  	v9 =	vadd.s32 s3, v2;
	v10 =	vld.idx.msk [tilespmem:v10+s18+$0x0], $0xffff;
	[tilespmem:s30+$0x180] =	vst v5  }
0xd7: {  	v4 =	vadd.s32 s10, v2;
	v11 =	vld.idx.msk [tilespmem:v11+s18+$0x0], $0xffff;
	[tilespmem:s30+$0xFFFFFE90] =	vst v12  }
0xd8: {  	v5 =	vld.idx.msk [tilespmem:v6+s18+$0x0], $0xffff;
	v12 =	vadd.s32 s29, v2;
	[tilespmem:s30+$0xFFFFFE10] =	vst v13  }
0xd9: {  	v13 =	vadd.s32 s8, v2;
	v7 =	vld.idx.msk [tilespmem:v7+s18+$0x0], $0xffff;
	[tilespmem:s30+$0xFFFFFF10] =	vst v14  }
0xda: {  	[tilespmem:s30+$0xFFFFFF90] =	vst v15;
	v15 =	vadd.s32 s7, v2;
	v8 =	vld.idx.msk [tilespmem:v8+s18+$0x0], $0xffff  }
0xdb: {  	v14 =	vadd.s32 s0, v2;
	v6 =	vld.idx.msk [tilespmem:v9+s18+$0x0], $0xffff  }
0xdc: {  	v18 =	vadd.s32 s9, v2;
	v17 =	vld.idx.msk [tilespmem:v4+s18+$0x0], $0xffff;
	[tilespmem:s30+$0x90] =	vst v11  }
0xdd: {  	v11 =	vadd.s32 s10, v3;
	v4 =	vld.idx.msk [tilespmem:v12+s18+$0x0], $0xffff;
	[tilespmem:s30+$0x110] =	vst v5  }
0xde: {  	v16 =	vadd.s32 s2, v3;
	[tilespmem:s30+$0x190] =	vst v7;
	v9 =	vld.idx.msk [tilespmem:v13+s18+$0x0], $0xffff  }
0xdf: {  	[tilespmem:s30+$0xFFFFFE20] =	vst v8;
	v8 =	vld.idx.msk [tilespmem:v15+s18+$0x0], $0xffff;
	v15 =	vadd.s32 s3, v3  }
0xe0: {  	[tilespmem:s30+$0x10] =	vst v10;
	v7 =	vld.idx.msk [tilespmem:v14+s18+$0x0], $0xffff;
	v14 =	vadd.s32 s8, v3  }
0xe1: {  	v10 =	vld.idx.msk [tilespmem:v18+s18+$0x0], $0xffff;
	v13 =	vadd.s32 s0, v3;
	[tilespmem:s30+$0xFFFFFFA0] =	vst v17  }
0xe2: {  	s31 =	simm.s32 $0xCA80;
	s2 =	simm.s32 $0x8;
	v5 =	vadd.s32 s9, v3;
	v12 =	vadd.s32 s7, v3;
	v11 =	vld.idx.msk [tilespmem:v11+s18+$0x0], $0xffff  }
.LBB2_7:
0xe3: {  	s8 =	sshll.u32 s2, $0x7;
	p0 =	slt.u32 s2, $0xC0;
	s2 =	sadd.s32 $0x8, s2;
	v16 =	vld.idx.msk [tilespmem:v16+s18+$0x0], $0xffff;
	[tilespmem:s30+$0xFFFFFF20] =	vst v6  }
0xe4: {  	v6 =	vadd.s32 s8, v0;
	s3 =	sadd.s32 $0x80, s8;
	s10 =	sadd.s32 $0x180, s8;
	s0 =	sadd.s32 $0x380, s8;
	v15 =	vld.idx.msk [tilespmem:v15+s18+$0x0], $0xffff;
	[tilespmem:s30+$0x120] =	vst v9  }
0xe5: {  	s9 =	sadd.s32 $0x100, s8;
	s11 =	sadd.s32 $0x200, s8;
	s16 =	sadd.s32 $0x280, s8;
	v9 =	vadd.s32 s3, v0;
	v17 =	vadd.s32 s10, v1;
	[tilespmem:s30+$0xFFFFFEA0] =	vst v7;
	v7 =	vld.idx.msk [tilespmem:v14+s18+$0x0], $0xffff  }
0xe6: {  	v14 =	vadd.s32 s9, v0;
	v18 =	vadd.s32 s16, v1;
	v13 =	vld.idx.msk [tilespmem:v13+s18+$0x0], $0xffff;
	[tilespmem:s30+$0x1A0] =	vst v8  }
0xe7: {  	v19 =	vadd.s32 s11, v3;
	v8 =	vadd.s32 s10, v0;
	[tilespmem:s30+$0x20] =	vst v10;
	v10 =	vld.idx.msk [tilespmem:v12+s18+$0x0], $0xffff  }
0xe8: {  	v12 =	vadd.s32 s11, v0;
	[tilespmem:s30+$0xFFFFFFB0] =	vst v11;
	v11 =	vld.idx.msk [tilespmem:v5+s18+$0x0], $0xffff;
	v5 =	vmov v19  }
0xe9: {  	s12 =	sadd.s32 $0x300, s8;
	v19 =	vadd.s32 s16, v0;
	v6 =	vld.idx.msk [tilespmem:v6+s18+$0x0], $0xffff;
	[tilespmem:s30+$0xFFFFFE30] =	vst v16  }
0xea: {  	v16 =	vadd.s32 s12, v0;
	v9 =	vld.idx.msk [tilespmem:v9+s18+$0x0], $0xffff;
	[tilespmem:s30+$0xFFFFFF30] =	vst v15  }
0xeb: {  	v15 =	vadd.s32 s0, v0;
	v14 =	vld.idx.msk [tilespmem:v14+s18+$0x0], $0xffff;
	[tilespmem:s30+$0x130] =	vst v7  }
0xec: {  	v20 =	vadd.s32 s3, v1;
	v7 =	vadd.s32 s8, v1;
	v8 =	vld.idx.msk [tilespmem:v8+s18+$0x0], $0xffff;
	[tilespmem:s30+$0xFFFFFEB0] =	vst v13  }
0xed: {  	v13 =	vadd.s32 s9, v1;
	v12 =	vld.idx.msk [tilespmem:v12+s18+$0x0], $0xffff;
	[tilespmem:s30+$0x1B0] =	vst v10  }
0xee: {  	s30 =	sadd.s32 $0x400, s30;
	v10 =	vld.idx.msk [tilespmem:v19+s18+$0x0], $0xffff;
	[tilespmem:s31+$0x30] =	vst v11  }
0xef: {  	[tilespmem:s30+$0xFFFFFE00] =	vst v6;
	v6 =	vadd.s32 s11, v1;
	v11 =	vld.idx.msk [tilespmem:v16+s18+$0x0], $0xffff  }
0xf0: {  	[tilespmem:s30+$0xFFFFFE80] =	vst v9;
	v9 =	vld.idx.msk [tilespmem:v15+s18+$0x0], $0xffff  }
0xf1: {  	v15 =	vld.idx.msk [tilespmem:v20+s18+$0x0], $0xffff;
	[tilespmem:s30+$0xFFFFFF00] =	vst v14;
	v14 =	vadd.s32 s12, v1  }
0xf2: {  	v7 =	vld.idx.msk [tilespmem:v7+s18+$0x0], $0xffff;
	[tilespmem:s30+$0xFFFFFF80] =	vst v8;
	v8 =	vadd.s32 s0, v1  }
0xf3: {  	v13 =	vld.idx.msk [tilespmem:v13+s18+$0x0], $0xffff;
	[tilespmem:s30+$0x0] =	vst v12  }
0xf4: {  	v12 =	vadd.s32 s8, v2;
	v16 =	vld.idx.msk [tilespmem:v17+s18+$0x0], $0xffff;
	[tilespmem:s30+$0x80] =	vst v10  }
0xf5: {  	v10 =	vadd.s32 s9, v2;
	v17 =	vld.idx.msk [tilespmem:v6+s18+$0x0], $0xffff;
	[tilespmem:s30+$0x100] =	vst v11  }
0xf6: {  	v11 =	vadd.s32 s10, v2;
	v18 =	vld.idx.msk [tilespmem:v18+s18+$0x0], $0xffff;
	[tilespmem:s30+$0x180] =	vst v9  }
0xf7: {  	[tilespmem:s30+$0xFFFFFE90] =	vst v15;
	v9 =	vld.idx.msk [tilespmem:v14+s18+$0x0], $0xffff;
	v14 =	vadd.s32 s29, v3;
	s29 =	smov.u32 s16  }
0xf8: {  	v15 =	vadd.s32 s12, v2;
	[tilespmem:s30+$0xFFFFFE10] =	vst v7;
	v7 =	vadd.s32 s29, v2;
	v8 =	vld.idx.msk [tilespmem:v8+s18+$0x0], $0xffff  }
0xf9: {  	v12 =	vld.idx.msk [tilespmem:v12+s18+$0x0], $0xffff;
	[tilespmem:s30+$0xFFFFFF10] =	vst v13  }
0xfa: {  	v13 =	vadd.s32 s3, v2;
	v6 =	vld.idx.msk [tilespmem:v10+s18+$0x0], $0xffff;
	[tilespmem:s30+$0xFFFFFF90] =	vst v16  }
0xfb: {  	v10 =	vld.idx.msk [tilespmem:v11+s18+$0x0], $0xffff;
	v11 =	vadd.s32 s0, v2;
	[tilespmem:s31+$0xA0] =	vst v4  }
0xfc: {  	v19 =	vadd.s32 s11, v2;
	[tilespmem:s30+$0x90] =	vst v18;
	v18 =	vld.idx.msk [tilespmem:v14+s18+$0x0], $0xffff  }
0xfd: {  	v20 =	vadd.s32 s10, v3;
	v4 =	vld.idx.msk [tilespmem:v7+s18+$0x0], $0xffff;
	[tilespmem:s30+$0x110] =	vst v9  }
.Ltmp4:
0xfe: {  	v16 =	vadd.s32 s8, v3;
	v9 =	vld.idx.msk [tilespmem:v15+s18+$0x0], $0xffff;
	[tilespmem:s30+$0x190] =	vst v8;
	(pc) =	sbr.rel @p0 .LBB2_7-.Ltmp4, $4  }
0xff: {  	v15 =	vadd.s32 s9, v3;
	v7 =	vld.idx.msk [tilespmem:v13+s18+$0x0], $0xffff;
	[tilespmem:s30+$0x10] =	vst v17  }
0x100: {  	v14 =	vadd.s32 s12, v3;
	[tilespmem:s30+$0xFFFFFE20] =	vst v12;
	v8 =	vld.idx.msk [tilespmem:v11+s18+$0x0], $0xffff  }
0x101: {  	v13 =	vadd.s32 s3, v3;
	[tilespmem:s30+$0xFFFFFFA0] =	vst v10;
	v10 =	vld.idx.msk [tilespmem:v19+s18+$0x0], $0xffff  }
0x102: {  	v12 =	vadd.s32 s0, v3;
	v11 =	vld.idx.msk [tilespmem:v20+s18+$0x0], $0xffff;
	[tilespmem:s31+$0xB0] =	vst v18;
	s31 =	smov.u32 s30  }
0x103: {  	_ =	sdelay $0x1  }
0x104: {  	[tilespmem:s30+$0xFFFFFF20] =	vst v6  }
0x105: {  	[tilespmem:s30+$0x120] =	vst v9  }
0x106: {  	v6 =	vld.idx.msk [tilespmem:v16+s18+$0x0], $0xffff;
	[tilespmem:s30+$0xFFFFFEA0] =	vst v7  }
0x107: {  	v7 =	vld.idx.msk [tilespmem:v15+s18+$0x0], $0xffff;
	[tilespmem:s30+$0x1A0] =	vst v8;
	v8 =	vadd.s32 s29, v3  }
0x108: {  	[tilespmem:s31+$0xA0] =	vst v4;
	v9 =	vld.idx.msk [tilespmem:v14+s18+$0x0], $0xffff  }
0x109: {  	[tilespmem:s30+$0x20] =	vst v10;
	v10 =	vld.idx.msk [tilespmem:v13+s18+$0x0], $0xffff  }
0x10a: {  	[tilespmem:s30+$0xFFFFFFB0] =	vst v11;
	v11 =	vld.idx.msk [tilespmem:v12+s18+$0x0], $0xffff  }
0x10b: {  	v5 =	vld.idx.msk [tilespmem:v5+s18+$0x0], $0xffff;
	[tilespmem:s30+$0xFFFFFE30] =	vst v6  }
0x10c: {  	[tilespmem:s30+$0xFFFFFF30] =	vst v7;
	v4 =	vld.idx.msk [tilespmem:v8+s18+$0x0], $0xffff  }
0x10d: {  	s29 =	smul.u32 $0x190, s28;
	[tilespmem:s30+$0x130] =	vst v9  }
0x10e: {  	[tilespmem:s30+$0xFFFFFEB0] =	vst v10  }
0x10f: {  	s0 =	sadd.s32 s6, s29;
	[tilespmem:s30+$0x1B0] =	vst v11  }
0x110: {  	s0 =	sshll.u32 s0, $0x4;
	[tilespmem:s31+$0x30] =	vst v5  }
0x111: {  	p0 =	seq.s32 s28, $0x3F;
	s0 =	sadd.s32 s5, s0;
	[tilespmem:s31+$0xB0] =	vst v4  }
0x112: {  	[hbm4b:s0+s4] =	stream.linear.scatter [tilespmem:s21], [sflag:$0x3], $0x6400, $0x38;
	[tilespmem:$0x19080] =	vst v63  }
0x113: {  	s0 =	sadd.s32 @!p0 s29, s13  }
0x114: {  	s0 =	sshll.u32 @!p0 s0, $0x4  }
0x115: {  	s2 =	simm.s32 @!p0 $0x0;
	s3 =	simm.s32 @!p0 $0x80;
	s0 =	sadd.s32 @!p0 s1, s0  }
0x116: {  	[tilespmem:s3], [sflag:$0x1] =	stream.linear.gather @!p0 [hbm4b:s0+s2], $0x6400, $0x38;
	[tilespmem:$0x19080] =	vst v63  }
0x117: {  	s11 =	simm.s32 $0x0;
	_ =	swait.ge [sflag:s22], $0x6400  }
0x118: {  	s12 =	simm.s32 $0x80;
	v4 =	vadd.s32 s11, v0;
	[sflag:s22] =	ssyncset.done $0x0  }
0x119: {  	s16 =	simm.s32 $0x100;
	v5 =	vadd.s32 s12, v0;
	[sflag:s22] =	ssyncadd.s32 $0xFFFF9C00  }
0x11a: {  	s10 =	simm.s32 $0x180;
	v6 =	vadd.s32 s16, v0;
	_ =	swait.ge [sflag:s25], $0x6400  }
0x11b: {  	s9 =	simm.s32 $0x200;
	v7 =	vadd.s32 s10, v0;
	[sflag:s25] =	ssyncset.done $0x0  }
0x11c: {  	v8 =	vadd.s32 s9, v0;
	s30 =	simm.s32 $0x280;
	[sflag:s25] =	ssyncadd.s32 $0xFFFF9C00  }
0x11d: {  	s8 =	simm.s32 $0x300;
	v9 =	vadd.s32 s30, v0;
	v4 =	vld.idx.msk [tilespmem:v4+s19+$0x0], $0xffff  }
0x11e: {  	s7 =	simm.s32 $0x380;
	v10 =	vadd.s32 s8, v0;
	v5 =	vld.idx.msk [tilespmem:v5+s19+$0x0], $0xffff  }
0x11f: {  	v11 =	vadd.s32 s7, v0;
	v6 =	vld.idx.msk [tilespmem:v6+s19+$0x0], $0xffff  }
0x120: {  	v12 =	vadd.s32 s12, v1;
	v7 =	vld.idx.msk [tilespmem:v7+s19+$0x0], $0xffff  }
0x121: {  	v13 =	vadd.s32 s11, v1;
	s31 =	simm.s32 $0x13030;
	v8 =	vld.idx.msk [tilespmem:v8+s19+$0x0], $0xffff  }
0x122: {  	v14 =	vadd.s32 s16, v1;
	v9 =	vld.idx.msk [tilespmem:v9+s19+$0x0], $0xffff;
	[tilespmem:s31+$0xFFFFFC50] =	vst v4  }
0x123: {  	v15 =	vadd.s32 s10, v1;
	v4 =	vld.idx.msk [tilespmem:v10+s19+$0x0], $0xffff;
	[tilespmem:s31+$0xFFFFFCD0] =	vst v5  }
0x124: {  	v10 =	vadd.s32 s9, v1;
	v5 =	vld.idx.msk [tilespmem:v11+s19+$0x0], $0xffff;
	[tilespmem:s31+$0xFFFFFD50] =	vst v6  }
0x125: {  	v11 =	vadd.s32 s30, v1;
	[tilespmem:s31+$0xFFFFFDD0] =	vst v7;
	v12 =	vld.idx.msk [tilespmem:v12+s19+$0x0], $0xffff  }
0x126: {  	v6 =	vadd.s32 s8, v1;
	[tilespmem:s31+$0xFFFFFE50] =	vst v8;
	v13 =	vld.idx.msk [tilespmem:v13+s19+$0x0], $0xffff  }
0x127: {  	v7 =	vadd.s32 s7, v1;
	[tilespmem:s31+$0xFFFFFED0] =	vst v9;
	v14 =	vld.idx.msk [tilespmem:v14+s19+$0x0], $0xffff  }
0x128: {  	v8 =	vadd.s32 s11, v2;
	v15 =	vld.idx.msk [tilespmem:v15+s19+$0x0], $0xffff;
	[tilespmem:s31+$0xFFFFFF50] =	vst v4  }
0x129: {  	v9 =	vadd.s32 s16, v2;
	v10 =	vld.idx.msk [tilespmem:v10+s19+$0x0], $0xffff;
	[tilespmem:s31+$0xFFFFFFD0] =	vst v5  }
0x12a: {  	v4 =	vadd.s32 s10, v2;
	v11 =	vld.idx.msk [tilespmem:v11+s19+$0x0], $0xffff;
	[tilespmem:s31+$0xFFFFFCE0] =	vst v12  }
0x12b: {  	v5 =	vld.idx.msk [tilespmem:v6+s19+$0x0], $0xffff;
	v12 =	vadd.s32 s30, v2;
	[tilespmem:s31+$0xFFFFFC60] =	vst v13  }
0x12c: {  	v13 =	vadd.s32 s8, v2;
	v7 =	vld.idx.msk [tilespmem:v7+s19+$0x0], $0xffff;
	[tilespmem:s31+$0xFFFFFD60] =	vst v14  }
0x12d: {  	[tilespmem:s31+$0xFFFFFDE0] =	vst v15;
	v15 =	vadd.s32 s7, v2;
	v8 =	vld.idx.msk [tilespmem:v8+s19+$0x0], $0xffff  }
0x12e: {  	v14 =	vadd.s32 s12, v2;
	v6 =	vld.idx.msk [tilespmem:v9+s19+$0x0], $0xffff  }
0x12f: {  	v18 =	vadd.s32 s9, v2;
	v17 =	vld.idx.msk [tilespmem:v4+s19+$0x0], $0xffff;
	[tilespmem:s31+$0xFFFFFEE0] =	vst v11  }
0x130: {  	v11 =	vadd.s32 s10, v3;
	v4 =	vld.idx.msk [tilespmem:v12+s19+$0x0], $0xffff;
	[tilespmem:s31+$0xFFFFFF60] =	vst v5  }
0x131: {  	v16 =	vadd.s32 s11, v3;
	[tilespmem:s31+$0xFFFFFFE0] =	vst v7;
	v9 =	vld.idx.msk [tilespmem:v13+s19+$0x0], $0xffff  }
0x132: {  	[tilespmem:s31+$0xFFFFFC70] =	vst v8;
	v8 =	vld.idx.msk [tilespmem:v15+s19+$0x0], $0xffff;
	v15 =	vadd.s32 s16, v3  }
0x133: {  	[tilespmem:s31+$0xFFFFFE60] =	vst v10;
	v7 =	vld.idx.msk [tilespmem:v14+s19+$0x0], $0xffff;
	v14 =	vadd.s32 s8, v3  }
0x134: {  	v10 =	vld.idx.msk [tilespmem:v18+s19+$0x0], $0xffff;
	v13 =	vadd.s32 s12, v3;
	[tilespmem:s31+$0xFFFFFDF0] =	vst v17  }
0x135: {  	s0 =	simm.s32 $0x8;
	s2 =	simm.s32 $0x13030;
	v5 =	vadd.s32 s9, v3;
	v12 =	vadd.s32 s7, v3;
	v11 =	vld.idx.msk [tilespmem:v11+s19+$0x0], $0xffff  }
.LBB2_9:
0x136: {  	s9 =	sshll.u32 s0, $0x7;
	p1 =	slt.u32 s0, $0xC0;
	s0 =	sadd.s32 $0x8, s0;
	v16 =	vld.idx.msk [tilespmem:v16+s19+$0x0], $0xffff;
	[tilespmem:s31+$0xFFFFFD70] =	vst v6  }
0x137: {  	v6 =	vadd.s32 s9, v0;
	s8 =	sadd.s32 $0x80, s9;
	s11 =	sadd.s32 $0x180, s9;
	s3 =	sadd.s32 $0x380, s9;
	v15 =	vld.idx.msk [tilespmem:v15+s19+$0x0], $0xffff;
	[tilespmem:s31+$0xFFFFFF70] =	vst v9  }
0x138: {  	s10 =	sadd.s32 $0x100, s9;
	s12 =	sadd.s32 $0x200, s9;
	s7 =	sadd.s32 $0x280, s9;
	v9 =	vadd.s32 s8, v0;
	v17 =	vadd.s32 s11, v1;
	[tilespmem:s31+$0xFFFFFCF0] =	vst v7;
	v7 =	vld.idx.msk [tilespmem:v14+s19+$0x0], $0xffff  }
0x139: {  	v14 =	vadd.s32 s10, v0;
	v18 =	vadd.s32 s7, v1;
	v13 =	vld.idx.msk [tilespmem:v13+s19+$0x0], $0xffff;
	[tilespmem:s31+$0xFFFFFFF0] =	vst v8  }
0x13a: {  	v19 =	vadd.s32 s12, v3;
	v8 =	vadd.s32 s11, v0;
	[tilespmem:s31+$0xFFFFFE70] =	vst v10;
	v10 =	vld.idx.msk [tilespmem:v12+s19+$0x0], $0xffff  }
0x13b: {  	v12 =	vadd.s32 s12, v0;
	[tilespmem:s31+$0xFFFFFE00] =	vst v11;
	v11 =	vld.idx.msk [tilespmem:v5+s19+$0x0], $0xffff;
	v5 =	vmov v19  }
0x13c: {  	s16 =	sadd.s32 $0x300, s9;
	v19 =	vadd.s32 s7, v0;
	v6 =	vld.idx.msk [tilespmem:v6+s19+$0x0], $0xffff;
	[tilespmem:s31+$0xFFFFFC80] =	vst v16  }
0x13d: {  	v16 =	vadd.s32 s16, v0;
	v9 =	vld.idx.msk [tilespmem:v9+s19+$0x0], $0xffff;
	[tilespmem:s31+$0xFFFFFD80] =	vst v15  }
0x13e: {  	v15 =	vadd.s32 s3, v0;
	v14 =	vld.idx.msk [tilespmem:v14+s19+$0x0], $0xffff;
	[tilespmem:s31+$0xFFFFFF80] =	vst v7  }
0x13f: {  	v20 =	vadd.s32 s8, v1;
	v7 =	vadd.s32 s9, v1;
	v8 =	vld.idx.msk [tilespmem:v8+s19+$0x0], $0xffff;
	[tilespmem:s31+$0xFFFFFD00] =	vst v13  }
0x140: {  	v13 =	vadd.s32 s10, v1;
	v12 =	vld.idx.msk [tilespmem:v12+s19+$0x0], $0xffff;
	[tilespmem:s31+$0x0] =	vst v10  }
0x141: {  	s31 =	sadd.s32 $0x400, s31;
	v10 =	vld.idx.msk [tilespmem:v19+s19+$0x0], $0xffff;
	[tilespmem:s2+$0xFFFFFE80] =	vst v11  }
0x142: {  	[tilespmem:s31+$0xFFFFFC50] =	vst v6;
	v6 =	vadd.s32 s12, v1;
	v11 =	vld.idx.msk [tilespmem:v16+s19+$0x0], $0xffff  }
0x143: {  	[tilespmem:s31+$0xFFFFFCD0] =	vst v9;
	v9 =	vld.idx.msk [tilespmem:v15+s19+$0x0], $0xffff  }
0x144: {  	v15 =	vld.idx.msk [tilespmem:v20+s19+$0x0], $0xffff;
	[tilespmem:s31+$0xFFFFFD50] =	vst v14;
	v14 =	vadd.s32 s16, v1  }
0x145: {  	v7 =	vld.idx.msk [tilespmem:v7+s19+$0x0], $0xffff;
	[tilespmem:s31+$0xFFFFFDD0] =	vst v8;
	v8 =	vadd.s32 s3, v1  }
0x146: {  	v13 =	vld.idx.msk [tilespmem:v13+s19+$0x0], $0xffff;
	[tilespmem:s31+$0xFFFFFE50] =	vst v12  }
0x147: {  	v12 =	vadd.s32 s9, v2;
	v16 =	vld.idx.msk [tilespmem:v17+s19+$0x0], $0xffff;
	[tilespmem:s31+$0xFFFFFED0] =	vst v10  }
0x148: {  	v10 =	vadd.s32 s10, v2;
	v17 =	vld.idx.msk [tilespmem:v6+s19+$0x0], $0xffff;
	[tilespmem:s31+$0xFFFFFF50] =	vst v11  }
0x149: {  	v11 =	vadd.s32 s11, v2;
	v18 =	vld.idx.msk [tilespmem:v18+s19+$0x0], $0xffff;
	[tilespmem:s31+$0xFFFFFFD0] =	vst v9  }
0x14a: {  	[tilespmem:s31+$0xFFFFFCE0] =	vst v15;
	v9 =	vld.idx.msk [tilespmem:v14+s19+$0x0], $0xffff;
	v14 =	vadd.s32 s30, v3;
	s30 =	smov.u32 s7  }
0x14b: {  	v15 =	vadd.s32 s16, v2;
	[tilespmem:s31+$0xFFFFFC60] =	vst v7;
	v7 =	vadd.s32 s30, v2;
	v8 =	vld.idx.msk [tilespmem:v8+s19+$0x0], $0xffff  }
0x14c: {  	v12 =	vld.idx.msk [tilespmem:v12+s19+$0x0], $0xffff;
	[tilespmem:s31+$0xFFFFFD60] =	vst v13  }
0x14d: {  	v13 =	vadd.s32 s8, v2;
	v6 =	vld.idx.msk [tilespmem:v10+s19+$0x0], $0xffff;
	[tilespmem:s31+$0xFFFFFDE0] =	vst v16  }
0x14e: {  	v10 =	vld.idx.msk [tilespmem:v11+s19+$0x0], $0xffff;
	v11 =	vadd.s32 s3, v2;
	[tilespmem:s2+$0xFFFFFEF0] =	vst v4  }
0x14f: {  	v19 =	vadd.s32 s12, v2;
	[tilespmem:s31+$0xFFFFFEE0] =	vst v18;
	v18 =	vld.idx.msk [tilespmem:v14+s19+$0x0], $0xffff  }
0x150: {  	v20 =	vadd.s32 s11, v3;
	v4 =	vld.idx.msk [tilespmem:v7+s19+$0x0], $0xffff;
	[tilespmem:s31+$0xFFFFFF60] =	vst v9  }
.Ltmp5:
0x151: {  	v16 =	vadd.s32 s9, v3;
	v9 =	vld.idx.msk [tilespmem:v15+s19+$0x0], $0xffff;
	[tilespmem:s31+$0xFFFFFFE0] =	vst v8;
	(pc) =	sbr.rel @p1 .LBB2_9-.Ltmp5, $4  }
0x152: {  	v15 =	vadd.s32 s10, v3;
	v7 =	vld.idx.msk [tilespmem:v13+s19+$0x0], $0xffff;
	[tilespmem:s31+$0xFFFFFE60] =	vst v17  }
0x153: {  	v14 =	vadd.s32 s16, v3;
	[tilespmem:s31+$0xFFFFFC70] =	vst v12;
	v8 =	vld.idx.msk [tilespmem:v11+s19+$0x0], $0xffff  }
0x154: {  	v13 =	vadd.s32 s8, v3;
	[tilespmem:s31+$0xFFFFFDF0] =	vst v10;
	v10 =	vld.idx.msk [tilespmem:v19+s19+$0x0], $0xffff  }
0x155: {  	v12 =	vadd.s32 s3, v3;
	v11 =	vld.idx.msk [tilespmem:v20+s19+$0x0], $0xffff;
	[tilespmem:s2+$0xFFFFFF00] =	vst v18;
	s2 =	smov.u32 s31  }
0x156: {  	_ =	sdelay $0x1  }
0x157: {  	[tilespmem:s31+$0xFFFFFD70] =	vst v6  }
0x158: {  	[tilespmem:s31+$0xFFFFFF70] =	vst v9  }
0x159: {  	v59 =	vld.idx.msk [tilespmem:v16+s19+$0x0], $0xffff;
	[tilespmem:s2+$0xFFFFFEF0] =	vst v4  }
0x15a: {  	v61 =	vadd.s32 s30, v3;
	[tilespmem:s31+$0xFFFFFCF0] =	vst v7;
	v60 =	vld.idx.msk [tilespmem:v15+s19+$0x0], $0xffff  }
0x15b: {  	v9 =	vld.idx.msk [tilespmem:v14+s19+$0x0], $0xffff;
	[tilespmem:s31+$0xFFFFFFF0] =	vst v8  }
0x15c: {  	v62 =	vld.idx.msk [tilespmem:v13+s19+$0x0], $0xffff;
	[tilespmem:s31+$0xFFFFFE70] =	vst v10  }
0x15d: {  	v63 =	vld.idx.msk [tilespmem:v12+s19+$0x0], $0xffff;
	[tilespmem:s31+$0xFFFFFE00] =	vst v11  }
0x15e: {  	v5 =	vld.idx.msk [tilespmem:v5+s19+$0x0], $0xffff;
	[tilespmem:s31+$0xFFFFFC80] =	vst v59  }
0x15f: {  	v4 =	vld.idx.msk [tilespmem:v61+s19+$0x0], $0xffff;
	[tilespmem:s31+$0xFFFFFD80] =	vst v60  }
0x160: {  	[tilespmem:s31+$0xFFFFFF80] =	vst v9  }
.Ltmp6:
0x161: {  	[tilespmem:s31+$0xFFFFFD00] =	vst v62;
	(pc) =	sbr.rel @p0 .LBB2_12-.Ltmp6, $4  }
0x162: {  	s0 =	sadd.s32 s29, s14;
	[tilespmem:s31+$0x0] =	vst v63  }
0x163: {  	s0 =	sshll.u32 s0, $0x4;
	[tilespmem:s2+$0xFFFFFE80] =	vst v5  }
0x164: {  	s0 =	sadd.s32 s5, s0;
	[tilespmem:s2+$0xFFFFFF00] =	vst v4  }
0x165: {  	[hbm4b:s0+s4] =	stream.linear.scatter [tilespmem:s23], [sflag:$0x4], $0x6400, $0x38;
	[tilespmem:$0x19080] =	vst v63  }
.Ltmp7:
0x166: {  	(pc) =	sbr.rel .LBB2_6-.Ltmp7, $4  }
0x167: {  	s0 =	sadd.s32 s29, s15  }
0x168: {  	s0 =	sshll.u32 s0, $0x4  }
0x169: {  	s28 =	sadd.s32 $0x1, s28;
	s0 =	sadd.s32 s1, s0  }
0x16a: {  	[tilespmem:s19], [sflag:$0x2] =	stream.linear.gather [hbm4b:s0+s4], $0x6400, $0x38;
	[tilespmem:$0x19080] =	vst v63  }
.LBB2_13:
0x16b: {  	_ =	sfence.sel $0x180000  }
0x16c: {  	[bflag:$0x0] =	sbarrier.arrive $0xFFFF  }
0x16d: {  	_ =	strace $0x90000047  }
0x16e: {  	s0 =	stileid.u32;
	[bflag:$0x2] =	sbarrier.arrive $0xFFFF  }
0x16f: {  	p0 =	sne.s32 s0, $0x0;
	s0 =	rddreg [dreg:$0x3]  }
0x170: {  	s0 =	sadd.s32 @!p0 $0x100000, s0  }
0x171: {  	[sflag:s0] =	ssyncadd.tile.s32 @!p0 $0x1;
	_ =	shalt  }
.Lfunc_end2:
_tile_overlayer_lowered:
.L_overlay_start_2:
0x172: {  	(tag) =	ssettag $0x2  }
0x173: {  	s0 =	rddreg [dreg:$0x0];
	s2 =	stileid.u32  }
0x174: {  	s1 =	rddreg [dreg:$0x1];
	p0 =	sne.s32 s2, $0x0  }
0x175: {  	s3 =	rddreg [dreg:$0x2];
	[bflag:$0x3] =	sbarrier.arrive $0xFFFF;
	s2 =	simm.s32 @!p0 $0x1C05  }
0x176: {  	[timem:s3], [sflag:s2] =	dma.local @!p0 [hbm:s0], s1  }
0x177: {  	s0 =	simm.s32 @!p0 $0x5  }
0x178: {  	_ =	swait.ge @!p0 [sflag:s0], s1  }
0x179: {  	s1 =	ssub.s32 @!p0 $0x0, s1;
	[sflag:s0] =	ssyncset.done @!p0 $0x0  }
0x17a: {  	[sflag:s0] =	ssyncadd.s32 @!p0 s1  }
0x17b: {  	[bflag:$0x3] =	sbarrier.arrive $0xFFFF  }
0x17c: {  	_ =	shalt  }

</sc_bundles>
